<compile_context>
chip_gen: v7x
topology: tpu7x:2x2x1
jax: 0.10.2.dev20260603
libtpu: 0.0.44.dev20260713+nightly
codegen_flags: <defaults>
</compile_context>

<pallas_src>
import functools

import jax
import jax.numpy as jnp
from jax import lax
from jax.experimental import pallas as pl
from jax.experimental.pallas import tpu as pltpu
from jax.experimental.pallas import tpu_sc as plsc

B, S, H = 2, 4096, 768
E, TOPK, FF = 16, 2, 384
SFF = 384 * 2
T = B * S
N = T * TOPK
TM = 256
TG = 256
NPAD = N + E * TG
NT = NPAD // TG


def _gate_shared_body(x_ref, gw_ref, s1_ref, s2_ref, s3_ref,
                      idx_ref, w_ref, sh_ref):
    x = x_ref[...]
    logits = lax.dot_general(x, gw_ref[...], (((1,), (1,)), ((), ())),
                             preferred_element_type=jnp.float32)
    m = jnp.max(logits, axis=-1, keepdims=True)
    p = jnp.exp(logits - m)
    s = p / jnp.sum(p, axis=-1, keepdims=True)
    iota = lax.broadcasted_iota(jnp.int32, (TM, E), 1)
    m1 = jnp.max(s, axis=-1, keepdims=True)
    i1 = jnp.min(jnp.where(s == m1, iota, E), axis=-1, keepdims=True)
    oh1 = iota == i1
    s2 = jnp.where(oh1, -1.0, s)
    m2 = jnp.max(s2, axis=-1, keepdims=True)
    i2 = jnp.min(jnp.where(s2 == m2, iota, E), axis=-1, keepdims=True)
    denom = m1 + m2 + 1e-20
    idx_ref[...] = jnp.concatenate([i1, i2], axis=1)
    w_ref[...] = jnp.concatenate([m1 / denom, m2 / denom], axis=1)
    xb = x.astype(jnp.bfloat16)
    g = lax.dot_general(xb, s1_ref[...], (((1,), (1,)), ((), ())),
                        preferred_element_type=jnp.float32)
    u = lax.dot_general(xb, s2_ref[...], (((1,), (1,)), ((), ())),
                        preferred_element_type=jnp.float32)
    a = ((g * jax.nn.sigmoid(g)) * u).astype(jnp.bfloat16)
    sh_ref[...] = lax.dot_general(a, s3_ref[...], (((1,), (0,)), ((), ())),
                                  preferred_element_type=jnp.float32)


def _gate_shared(x, gw, s1, s2, s3):
    return pl.pallas_call(
        _gate_shared_body,
        grid=(T // TM,),
        in_specs=[
            pl.BlockSpec((TM, H), lambda i: (i, 0)),
            pl.BlockSpec((E, H), lambda i: (0, 0)),
            pl.BlockSpec((SFF, H), lambda i: (0, 0)),
            pl.BlockSpec((SFF, H), lambda i: (0, 0)),
            pl.BlockSpec((SFF, H), lambda i: (0, 0)),
        ],
        out_specs=[
            pl.BlockSpec((TM, TOPK), lambda i: (i, 0)),
            pl.BlockSpec((TM, TOPK), lambda i: (i, 0)),
            pl.BlockSpec((TM, H), lambda i: (i, 0)),
        ],
        out_shape=[
            jax.ShapeDtypeStruct((T, TOPK), jnp.int32),
            jax.ShapeDtypeStruct((T, TOPK), jnp.float32),
            jax.ShapeDtypeStruct((T, H), jnp.float32),
        ],
    )(x, gw, s1, s2, s3)


def _grouped_mlp_body(eid_ref, xs_ref, wg_ref, wu_ref, wd_ref, ys_ref):
    xb = xs_ref[...].astype(jnp.bfloat16)
    g = lax.dot_general(xb, wg_ref[0], (((1,), (1,)), ((), ())),
                        preferred_element_type=jnp.float32)
    u = lax.dot_general(xb, wu_ref[0], (((1,), (1,)), ((), ())),
                        preferred_element_type=jnp.float32)
    a = ((g * jax.nn.sigmoid(g)) * u).astype(jnp.bfloat16)
    ys_ref[...] = lax.dot_general(a, wd_ref[0], (((1,), (1,)), ((), ())),
                                  preferred_element_type=jnp.float32)


def _grouped_mlp(tile_eid, xs, wg, wu, wd):
    grid_spec = pltpu.PrefetchScalarGridSpec(
        num_scalar_prefetch=1,
        grid=(NT,),
        in_specs=[
            pl.BlockSpec((TG, H), lambda i, eid: (i, 0)),
            pl.BlockSpec((1, FF, H), lambda i, eid: (eid[i], 0, 0)),
            pl.BlockSpec((1, FF, H), lambda i, eid: (eid[i], 0, 0)),
            pl.BlockSpec((1, H, FF), lambda i, eid: (eid[i], 0, 0)),
        ],
        out_specs=pl.BlockSpec((TG, H), lambda i, eid: (i, 0)),
    )
    return pl.pallas_call(
        _grouped_mlp_body,
        grid_spec=grid_spec,
        out_shape=jax.ShapeDtypeStruct((NPAD, H), jnp.float32),
    )(tile_eid, xs, wg, wu, wd)


SC_NC, SC_NS = 2, 16
NW = SC_NC * SC_NS
GR = 128


@functools.lru_cache(maxsize=None)
def _sc_mesh():
    return plsc.VectorSubcoreMesh(core_axis_name="c", subcore_axis_name="s")


@functools.lru_cache(maxsize=None)
def _sc_gather_kernel(n_out):

    def body(tab_hbm, idx_hbm, out_hbm, idx_v, rows_v, sem):
        wid = lax.axis_index("s") * SC_NC + lax.axis_index("c")
        rows_per_w = n_out // NW
        base_w = wid * rows_per_w

        def chunk(i, _):
            base = base_w + i * GR
            pltpu.sync_copy(idx_hbm.at[pl.ds(base, GR)], idx_v)
            pltpu.async_copy(tab_hbm.at[idx_v], rows_v, sem).wait()
            pltpu.sync_copy(rows_v, out_hbm.at[pl.ds(base, GR)])
            return _

        lax.fori_loop(0, rows_per_w // GR, chunk, 0)

    return pl.kernel(
        body,
        out_type=jax.ShapeDtypeStruct((n_out, H), jnp.float32),
        mesh=_sc_mesh(),
        scratch_types=[
            pltpu.VMEM((GR,), jnp.int32),
            pltpu.VMEM((GR, H), jnp.float32),
            pltpu.SemaphoreType.DMA,
        ],
    )


def _combine_body(g0_ref, g1_ref, sh_ref, w_ref, y_ref):
    w = w_ref[...]
    y_ref[...] = (g0_ref[...] * w[:, 0:1] + g1_ref[...] * w[:, 1:2]
                  + sh_ref[...])


def _combine(g01, sh, wts):
    nb = T // TM
    return pl.pallas_call(
        _combine_body,
        grid=(nb,),
        in_specs=[
            pl.BlockSpec((TM, H), lambda i: (i, 0)),
            pl.BlockSpec((TM, H), lambda i, nb=nb: (i + nb, 0)),
            pl.BlockSpec((TM, H), lambda i: (i, 0)),
            pl.BlockSpec((TM, TOPK), lambda i: (i, 0)),
        ],
        out_specs=pl.BlockSpec((TM, H), lambda i: (i, 0)),
        out_shape=jax.ShapeDtypeStruct((T, H), jnp.float32),
    )(g01, g01, sh, wts)


def _route(idx):
    eid = idx.reshape(N)
    CH = 128
    oh = (eid[:, None] == jnp.arange(E, dtype=jnp.int32)[None, :]
          ).astype(jnp.float32).reshape(N // CH, CH, E)
    tril = jnp.tril(jnp.ones((CH, CH), jnp.float32))
    within = jnp.einsum('rc,bce->bre', tril, oh,
                        preferred_element_type=jnp.float32)
    blk_tot = within[:, -1, :]
    blk_pre = jnp.cumsum(blk_tot, axis=0) - blk_tot
    ranks = (within + blk_pre[:, None, :]).reshape(N, E)
    counts = (blk_pre[-1] + blk_tot[-1]).astype(jnp.int32)
    padded = ((counts + TG - 1) // TG) * TG
    pcum = jnp.cumsum(padded)
    base = pcum - padded
    rank_n = jnp.take_along_axis(ranks, eid[:, None], axis=1)[:, 0]
    pos = base[eid] + rank_n.astype(jnp.int32) - 1
    sorted_tok = (jnp.arange(NPAD, dtype=jnp.int32) % T).at[pos].set(
        jnp.arange(N, dtype=jnp.int32) // TOPK)
    tile_start = jnp.arange(NT, dtype=jnp.int32) * TG
    tile_eid = jnp.minimum(
        jnp.sum((tile_start[:, None] >= pcum[None, :]).astype(jnp.int32),
                axis=1), E - 1).astype(jnp.int32)
    return pos, sorted_tok, tile_eid


@jax.jit
def _moe(x, gw, wg, wu, wd, s1, s2, s3):
    idx, wts, shared = _gate_shared(x, gw, s1, s2, s3)
    pos, sorted_tok, tile_eid = _route(idx)
    xs = _sc_gather_kernel(NPAD)(x, sorted_tok)
    ys = _grouped_mlp(tile_eid, xs, wg, wu, wd)
    pos2 = pos.reshape(T, TOPK)
    pos_cat = jnp.concatenate([pos2[:, 0], pos2[:, 1]])
    g01 = _sc_gather_kernel(N)(ys, pos_cat)
    return _combine(g01, shared, wts)


def kernel(hidden_states, gate_weight, Wg, Wu, Wd, sWg, sWu, sWd):
    x = hidden_states.reshape(T, H)
    wg = Wg.astype(jnp.bfloat16)
    wu = Wu.astype(jnp.bfloat16)
    wd = Wd.astype(jnp.bfloat16)
    s1 = sWg.astype(jnp.bfloat16)
    s2 = sWu.astype(jnp.bfloat16)
    s3 = sWd.T.astype(jnp.bfloat16)
    y = _moe(x, gate_weight, wg, wu, wd, s1, s2, s3)
    return y.reshape(B, S, H)

# --- scband reference (transcript-rebuilt; emitter-appended) ---
"""Pipeline reference for scband-deepseek-v2-mo-e-45019847197158 (READ-ONLY COPY).

The authoritative reference and input builder live on the scoring server;
editing this copy changes nothing except your own understanding.
"""

import jax, jax.numpy as jnp
import numpy as np

B, S, H = 2, 4096, 768
E, TOPK, FF = 16, 2, 384
SFF = 384 * 2  # moe_intermediate_size * n_shared_experts
RSF = 1.0


def setup_inputs(seed: int = 0) -> dict:
    key = jax.random.key(seed)
    ks = jax.random.split(key, 8)
    hidden_states = jax.random.normal(ks[0], (B, S, H), dtype=jnp.float32)
    gate_weight = jax.random.normal(ks[1], (E, H), dtype=jnp.float32) * 0.02
    Wg = jax.random.normal(ks[2], (E, FF, H), dtype=jnp.float32) * 0.02
    Wu = jax.random.normal(ks[3], (E, FF, H), dtype=jnp.float32) * 0.02
    Wd = jax.random.normal(ks[4], (E, H, FF), dtype=jnp.float32) * 0.02
    sWg = jax.random.normal(ks[5], (SFF, H), dtype=jnp.float32) * 0.02
    sWu = jax.random.normal(ks[6], (SFF, H), dtype=jnp.float32) * 0.02
    sWd = jax.random.normal(ks[7], (H, SFF), dtype=jnp.float32) * 0.02
    return {"hidden_states": hidden_states, "gate_weight": gate_weight,
            "Wg": Wg, "Wu": Wu, "Wd": Wd, "sWg": sWg, "sWu": sWu, "sWd": sWd}


def _mlp(x, wg, wu, wd):
    # DeepseekV2MLP: down_proj(silu(gate_proj(x)) * up_proj(x)), no bias
    return (jax.nn.silu(x @ wg.T) * (x @ wu.T)) @ wd.T


def reference(hidden_states, gate_weight, Wg, Wu, Wd, sWg, sWu, sWd):
    bsz, seq, h = hidden_states.shape
    x = hidden_states.reshape(-1, h)
    # MoEGate: greedy softmax top-k routing in float32
    logits = x.astype(jnp.float32) @ gate_weight.astype(jnp.float32).T
    scores = jax.nn.softmax(logits, axis=-1)
    topk_weight, topk_idx = jax.lax.top_k(scores, TOPK)
    # norm_topk_prob=True, top_k>1
    denom = jnp.sum(topk_weight, axis=-1, keepdims=True) + 1e-20
    topk_weight = topk_weight / denom * RSF
    T = x.shape[0]
    # scatter top-k weights into a dense [T, E] combine matrix
    combine = jnp.zeros((T, E), dtype=jnp.float32).at[
        jnp.arange(T)[:, None], topk_idx].add(topk_weight)
    # y[t] = sum_k topk_weight[t,k] * expert_{topk_idx[t,k]}(x[t])
    all_out = jax.vmap(lambda wg, wu, wd: _mlp(x, wg, wu, wd))(Wg, Wu, Wd)  # [E, T, H]
    y = jnp.einsum('te,eth->th', combine, all_out)
    # shared experts applied to identity and added
    y = y + _mlp(x, sWg, sWu, sWd)
    return y.reshape(bsz, seq, h)

if __name__ == "__main__":
    import jax
    _d = setup_inputs()
    print(jax.jit(kernel)(*tuple(_d.values())))

</pallas_src>

<mosaic_0001>
#map = affine_map<(d0, d1) -> (0, 0)>
#map1 = affine_map<(d0, d1) -> (0)>
module attributes {stable_mosaic.version = 14 : i64} {
  func.func @body(%arg0: i32, %arg1: i32, %arg2: memref<8192x768xf32, #tpu.memory_space<hbm>>, %arg3: memref<20480xi32, #tpu.memory_space<hbm>>, %arg4: memref<20480x768xf32, #tpu.memory_space<hbm>>, %arg5: memref<128xi32, #tpu.memory_space<vmem>>, %arg6: memref<128x768xf32, #tpu.memory_space<vmem>>, %arg7: memref<!tpu.dma_semaphore, #tpu.memory_space<semaphore_mem>>) attributes {dimension_semantics = [#tpu.dimension_semantics<core_parallel>, #tpu.dimension_semantics<subcore_parallel>], iteration_bounds = array<i64: 2, 16>, scalar_prefetch = 0 : i64, scratch_operands = 3 : i64, tpu.core_type = #tpu.core_type<sc_vector_subcore>, window_params = [{transform_indices = #map}, {transform_indices = #map1}, {transform_indices = #map}]} {
    %mul3A = arith.constant 2 : i32
    %mul3A_0 = arith.muli %arg1, %mul3A : i32
    %add3A = arith.addi %mul3A_0, %arg0 : i32
    %mul3A_1 = arith.constant 640 : i32
    %mul3A_2 = arith.muli %add3A, %mul3A_1 : i32
    %scan3A = arith.constant 0 : i32
    %scan3A_3 = arith.constant 0 : i32
    %scan3A_4 = arith.constant 5 : i32
    %scan3A_5 = arith.addi %scan3A_3, %scan3A_4 : i32
    %scan3A_6 = arith.constant 1 : i32
    scf.for %scan3A_8 = %scan3A_3 to %scan3A_5 step %scan3A_6  : i32 {
      %mul3A_9 = arith.constant 128 : i32
      %mul3A_10 = arith.muli %scan3A_8, %mul3A_9 : i32
      %add3A_11 = arith.addi %mul3A_2, %mul3A_10 : i32
      "tpu.region"() ({
        %run_scoped3A = tpu.sem_alloc : memref<!tpu.dma_semaphore, #tpu.memory_space<semaphore_mem>>
        %dma_start3A_16 = tpu.memref_slice %arg3[%add3A_11] : memref<20480xi32, #tpu.memory_space<hbm>> -> memref<128xi32, #tpu.memory_space<hbm>>
        %dma_start3A_17 = tpu.memref_slice %arg3[%add3A_11] : memref<20480xi32, #tpu.memory_space<hbm>> -> memref<128xi32, #tpu.memory_space<hbm>>
        tpu.enqueue_dma source(%dma_start3A_17 : memref<128xi32, #tpu.memory_space<hbm>>) target(%arg5 : memref<128xi32, #tpu.memory_space<vmem>>) target_semaphore(%run_scoped3A : memref<!tpu.dma_semaphore, #tpu.memory_space<semaphore_mem>>)
        %dma_wait3A_18 = tpu.memref_slice %arg3[%add3A_11] : memref<20480xi32, #tpu.memory_space<hbm>> -> memref<128xi32, #tpu.memory_space<hbm>>
        %dma_wait3A_19 = tpu.memref_slice %arg3[%add3A_11] : memref<20480xi32, #tpu.memory_space<hbm>> -> memref<128xi32, #tpu.memory_space<hbm>>
        tpu.wait_dma2 semaphore(%run_scoped3A : memref<!tpu.dma_semaphore, #tpu.memory_space<semaphore_mem>>) src(%dma_wait3A_19 : memref<128xi32, #tpu.memory_space<hbm>>) dst(%arg5 : memref<128xi32, #tpu.memory_space<vmem>>)
        tpu.yield
      }) : () -> ()
      %dma_start3A = arith.constant 0 : i32
      %dma_start3A_12 = arith.constant 0 : i32
      %dma_start3A_13 = tpu.memref_slice %arg2[%dma_start3A, %dma_start3A_12] : memref<8192x768xf32, #tpu.memory_space<hbm>> -> memref<8192x768xf32, #tpu.memory_space<hbm>>
      tpu.enqueue_indirect_dma source(%dma_start3A_13 : memref<8192x768xf32, #tpu.memory_space<hbm>>) target(%arg6 : memref<128x768xf32, #tpu.memory_space<vmem>>) offsets(%arg5 : memref<128xi32, #tpu.memory_space<vmem>>) semaphore(%arg7 : memref<!tpu.dma_semaphore, #tpu.memory_space<semaphore_mem>>)
      %dma_wait3A = arith.constant 0 : i32
      %dma_wait3A_14 = arith.constant 0 : i32
      %dma_wait3A_15 = tpu.memref_slice %arg2[%dma_wait3A, %dma_wait3A_14] : memref<8192x768xf32, #tpu.memory_space<hbm>> -> memref<8192x768xf32, #tpu.memory_space<hbm>>
      tpu.wait_indirect_dma semaphore(%arg7 : memref<!tpu.dma_semaphore, #tpu.memory_space<semaphore_mem>>) src(%dma_wait3A_15 : memref<8192x768xf32, #tpu.memory_space<hbm>>) dst(%arg6 : memref<128x768xf32, #tpu.memory_space<vmem>>)
      "tpu.region"() ({
        %run_scoped3A = tpu.sem_alloc : memref<!tpu.dma_semaphore, #tpu.memory_space<semaphore_mem>>
        %dma_start3A_16 = arith.constant 0 : i32
        %dma_start3A_17 = tpu.memref_slice %arg4[%add3A_11, %dma_start3A_16] : memref<20480x768xf32, #tpu.memory_space<hbm>> -> memref<128x768xf32, #tpu.memory_space<hbm>>
        %dma_start3A_18 = arith.constant 0 : i32
        %dma_start3A_19 = tpu.memref_slice %arg4[%add3A_11, %dma_start3A_18] : memref<20480x768xf32, #tpu.memory_space<hbm>> -> memref<128x768xf32, #tpu.memory_space<hbm>>
        tpu.enqueue_dma source(%arg6 : memref<128x768xf32, #tpu.memory_space<vmem>>) target(%dma_start3A_19 : memref<128x768xf32, #tpu.memory_space<hbm>>) target_semaphore(%run_scoped3A : memref<!tpu.dma_semaphore, #tpu.memory_space<semaphore_mem>>)
        %dma_wait3A_20 = arith.constant 0 : i32
        %dma_wait3A_21 = tpu.memref_slice %arg4[%add3A_11, %dma_wait3A_20] : memref<20480x768xf32, #tpu.memory_space<hbm>> -> memref<128x768xf32, #tpu.memory_space<hbm>>
        %dma_wait3A_22 = arith.constant 0 : i32
        %dma_wait3A_23 = tpu.memref_slice %arg4[%add3A_11, %dma_wait3A_22] : memref<20480x768xf32, #tpu.memory_space<hbm>> -> memref<128x768xf32, #tpu.memory_space<hbm>>
        tpu.wait_dma2 semaphore(%run_scoped3A : memref<!tpu.dma_semaphore, #tpu.memory_space<semaphore_mem>>) src(%arg6 : memref<128x768xf32, #tpu.memory_space<vmem>>) dst(%dma_wait3A_23 : memref<128x768xf32, #tpu.memory_space<hbm>>)
        tpu.yield
      }) : () -> ()
    }
    %scan3A_7 = arith.constant 5 : i32
    return
  }
}

#map = affine_map<(d0, d1) -> (0, 0)>
#map1 = affine_map<(d0, d1) -> (0)>
module attributes {stable_mosaic.version = 14 : i64} {
  func.func @body(%arg0: i32, %arg1: i32, %arg2: memref<20480x768xf32, #tpu.memory_space<hbm>>, %arg3: memref<16384xi32, #tpu.memory_space<hbm>>, %arg4: memref<16384x768xf32, #tpu.memory_space<hbm>>, %arg5: memref<128xi32, #tpu.memory_space<vmem>>, %arg6: memref<128x768xf32, #tpu.memory_space<vmem>>, %arg7: memref<!tpu.dma_semaphore, #tpu.memory_space<semaphore_mem>>) attributes {dimension_semantics = [#tpu.dimension_semantics<core_parallel>, #tpu.dimension_semantics<subcore_parallel>], iteration_bounds = array<i64: 2, 16>, scalar_prefetch = 0 : i64, scratch_operands = 3 : i64, tpu.core_type = #tpu.core_type<sc_vector_subcore>, window_params = [{transform_indices = #map}, {transform_indices = #map1}, {transform_indices = #map}]} {
    %mul3A = arith.constant 2 : i32
    %mul3A_0 = arith.muli %arg1, %mul3A : i32
    %add3A = arith.addi %mul3A_0, %arg0 : i32
    %mul3A_1 = arith.constant 512 : i32
    %mul3A_2 = arith.muli %add3A, %mul3A_1 : i32
    %scan3A = arith.constant 0 : i32
    %scan3A_3 = arith.constant 0 : i32
    %scan3A_4 = arith.constant 4 : i32
    %scan3A_5 = arith.addi %scan3A_3, %scan3A_4 : i32
    %scan3A_6 = arith.constant 1 : i32
    scf.for %scan3A_8 = %scan3A_3 to %scan3A_5 step %scan3A_6  : i32 {
      %mul3A_9 = arith.constant 128 : i32
      %mul3A_10 = arith.muli %scan3A_8, %mul3A_9 : i32
      %add3A_11 = arith.addi %mul3A_2, %mul3A_10 : i32
      "tpu.region"() ({
        %run_scoped3A = tpu.sem_alloc : memref<!tpu.dma_semaphore, #tpu.memory_space<semaphore_mem>>
        %dma_start3A_16 = tpu.memref_slice %arg3[%add3A_11] : memref<16384xi32, #tpu.memory_space<hbm>> -> memref<128xi32, #tpu.memory_space<hbm>>
        %dma_start3A_17 = tpu.memref_slice %arg3[%add3A_11] : memref<16384xi32, #tpu.memory_space<hbm>> -> memref<128xi32, #tpu.memory_space<hbm>>
        tpu.enqueue_dma source(%dma_start3A_17 : memref<128xi32, #tpu.memory_space<hbm>>) target(%arg5 : memref<128xi32, #tpu.memory_space<vmem>>) target_semaphore(%run_scoped3A : memref<!tpu.dma_semaphore, #tpu.memory_space<semaphore_mem>>)
        %dma_wait3A_18 = tpu.memref_slice %arg3[%add3A_11] : memref<16384xi32, #tpu.memory_space<hbm>> -> memref<128xi32, #tpu.memory_space<hbm>>
        %dma_wait3A_19 = tpu.memref_slice %arg3[%add3A_11] : memref<16384xi32, #tpu.memory_space<hbm>> -> memref<128xi32, #tpu.memory_space<hbm>>
        tpu.wait_dma2 semaphore(%run_scoped3A : memref<!tpu.dma_semaphore, #tpu.memory_space<semaphore_mem>>) src(%dma_wait3A_19 : memref<128xi32, #tpu.memory_space<hbm>>) dst(%arg5 : memref<128xi32, #tpu.memory_space<vmem>>)
        tpu.yield
      }) : () -> ()
      %dma_start3A = arith.constant 0 : i32
      %dma_start3A_12 = arith.constant 0 : i32
      %dma_start3A_13 = tpu.memref_slice %arg2[%dma_start3A, %dma_start3A_12] : memref<20480x768xf32, #tpu.memory_space<hbm>> -> memref<20480x768xf32, #tpu.memory_space<hbm>>
      tpu.enqueue_indirect_dma source(%dma_start3A_13 : memref<20480x768xf32, #tpu.memory_space<hbm>>) target(%arg6 : memref<128x768xf32, #tpu.memory_space<vmem>>) offsets(%arg5 : memref<128xi32, #tpu.memory_space<vmem>>) semaphore(%arg7 : memref<!tpu.dma_semaphore, #tpu.memory_space<semaphore_mem>>)
      %dma_wait3A = arith.constant 0 : i32
      %dma_wait3A_14 = arith.constant 0 : i32
      %dma_wait3A_15 = tpu.memref_slice %arg2[%dma_wait3A, %dma_wait3A_14] : memref<20480x768xf32, #tpu.memory_space<hbm>> -> memref<20480x768xf32, #tpu.memory_space<hbm>>
      tpu.wait_indirect_dma semaphore(%arg7 : memref<!tpu.dma_semaphore, #tpu.memory_space<semaphore_mem>>) src(%dma_wait3A_15 : memref<20480x768xf32, #tpu.memory_space<hbm>>) dst(%arg6 : memref<128x768xf32, #tpu.memory_space<vmem>>)
      "tpu.region"() ({
        %run_scoped3A = tpu.sem_alloc : memref<!tpu.dma_semaphore, #tpu.memory_space<semaphore_mem>>
        %dma_start3A_16 = arith.constant 0 : i32
        %dma_start3A_17 = tpu.memref_slice %arg4[%add3A_11, %dma_start3A_16] : memref<16384x768xf32, #tpu.memory_space<hbm>> -> memref<128x768xf32, #tpu.memory_space<hbm>>
        %dma_start3A_18 = arith.constant 0 : i32
        %dma_start3A_19 = tpu.memref_slice %arg4[%add3A_11, %dma_start3A_18] : memref<16384x768xf32, #tpu.memory_space<hbm>> -> memref<128x768xf32, #tpu.memory_space<hbm>>
        tpu.enqueue_dma source(%arg6 : memref<128x768xf32, #tpu.memory_space<vmem>>) target(%dma_start3A_19 : memref<128x768xf32, #tpu.memory_space<hbm>>) target_semaphore(%run_scoped3A : memref<!tpu.dma_semaphore, #tpu.memory_space<semaphore_mem>>)
        %dma_wait3A_20 = arith.constant 0 : i32
        %dma_wait3A_21 = tpu.memref_slice %arg4[%add3A_11, %dma_wait3A_20] : memref<16384x768xf32, #tpu.memory_space<hbm>> -> memref<128x768xf32, #tpu.memory_space<hbm>>
        %dma_wait3A_22 = arith.constant 0 : i32
        %dma_wait3A_23 = tpu.memref_slice %arg4[%add3A_11, %dma_wait3A_22] : memref<16384x768xf32, #tpu.memory_space<hbm>> -> memref<128x768xf32, #tpu.memory_space<hbm>>
        tpu.wait_dma2 semaphore(%run_scoped3A : memref<!tpu.dma_semaphore, #tpu.memory_space<semaphore_mem>>) src(%arg6 : memref<128x768xf32, #tpu.memory_space<vmem>>) dst(%dma_wait3A_23 : memref<128x768xf32, #tpu.memory_space<hbm>>)
        tpu.yield
      }) : () -> ()
    }
    %scan3A_7 = arith.constant 4 : i32
    return
  }
}

module attributes {stable_mosaic.version = 14 : i64} {
  func.func @_gate_shared_body(%arg0: i32, %arg1: memref<256x768xf32, #tpu.memory_space<vmem>>, %arg2: memref<16x768xf32, #tpu.memory_space<vmem>>, %arg3: memref<768x768xbf16, #tpu.memory_space<vmem>>, %arg4: memref<768x768xbf16, #tpu.memory_space<vmem>>, %arg5: memref<768x768xbf16, #tpu.memory_space<vmem>>, %arg6: memref<256x2xi32, #tpu.memory_space<vmem>>, %arg7: memref<256x2xf32, #tpu.memory_space<vmem>>, %arg8: memref<256x768xf32, #tpu.memory_space<vmem>>) attributes {dimension_semantics = [#tpu.dimension_semantics<arbitrary>], iteration_bounds = array<i64: 32>, scalar_prefetch = 0 : i64, scratch_operands = 0 : i64, tpu.core_type = #tpu.core_type<tc>, window_params = [{transform_indices = @transform_0, window_bounds = array<i64: 256, 768>}, {pipeline_mode = #tpu.pipeline_mode<synchronous>, transform_indices = @transform_1, window_bounds = array<i64: 16, 768>}, {pipeline_mode = #tpu.pipeline_mode<synchronous>, transform_indices = @transform_2, window_bounds = array<i64: 768, 768>}, {pipeline_mode = #tpu.pipeline_mode<synchronous>, transform_indices = @transform_3, window_bounds = array<i64: 768, 768>}, {pipeline_mode = #tpu.pipeline_mode<synchronous>, transform_indices = @transform_4, window_bounds = array<i64: 768, 768>}, {transform_indices = @transform_5, window_bounds = array<i64: 256, 2>}, {transform_indices = @transform_6, window_bounds = array<i64: 256, 2>}, {transform_indices = @transform_7, window_bounds = array<i64: 256, 768>}]} {
    %get3A = arith.constant 0 : index
    %get3A_0 = arith.constant 0 : index
    %get3A_1 = vector.load %arg1[%get3A, %get3A_0] : memref<256x768xf32, #tpu.memory_space<vmem>>, vector<256x768xf32>
    %get3A_2 = arith.constant 0 : index
    %get3A_3 = arith.constant 0 : index
    %get3A_4 = vector.load %arg2[%get3A_2, %get3A_3] : memref<16x768xf32, #tpu.memory_space<vmem>>, vector<16x768xf32>
    %dot_general3A = arith.constant dense<0.000000e+00> : vector<256x16xf32>
    %dot_general3A_5 = tpu.matmul %get3A_1, %get3A_4, %dot_general3A {dimension_numbers = #tpu.dot_dimension_numbers<[1], [1], [0], [0], [0, 0, 1, 0], [], []>, transpose_lhs_hint = false} : vector<256x768xf32>, vector<16x768xf32>, vector<256x16xf32> -> vector<256x16xf32>
    %reduce_max3A = arith.constant dense<0xFF800000> : vector<256xf32>
    %reduce_max3A_6 = vector.multi_reduction <maximumf>, %dot_general3A_5, %reduce_max3A [1] : vector<256x16xf32> to vector<256xf32>
    %broadcast_in_dim3A = vector.shape_cast %reduce_max3A_6 : vector<256xf32> to vector<256x1xf32>
    %sub3A = vector.broadcast %broadcast_in_dim3A : vector<256x1xf32> to vector<256x16xf32>
    %sub3A_7 = arith.subf %dot_general3A_5, %sub3A : vector<256x16xf32>
    %exp3A = math.exp %sub3A_7 : vector<256x16xf32>
    %reduce_sum3A = arith.constant dense<0.000000e+00> : vector<256xf32>
    %reduce_sum3A_8 = vector.multi_reduction <add>, %exp3A, %reduce_sum3A [1] : vector<256x16xf32> to vector<256xf32>
    %broadcast_in_dim3A_9 = vector.shape_cast %reduce_sum3A_8 : vector<256xf32> to vector<256x1xf32>
    %div3A = vector.broadcast %broadcast_in_dim3A_9 : vector<256x1xf32> to vector<256x16xf32>
    %div3A_10 = arith.divf %exp3A, %div3A : vector<256x16xf32>
    %iota3A = tpu.iota {dimensions = array<i32: 1>} : vector<256x16xi32>
    %reduce_max3A_11 = arith.constant dense<0xFF800000> : vector<256xf32>
    %reduce_max3A_12 = vector.multi_reduction <maximumf>, %div3A_10, %reduce_max3A_11 [1] : vector<256x16xf32> to vector<256xf32>
    %broadcast_in_dim3A_13 = vector.shape_cast %reduce_max3A_12 : vector<256xf32> to vector<256x1xf32>
    %eq3A = vector.broadcast %broadcast_in_dim3A_13 : vector<256x1xf32> to vector<256x16xf32>
    %eq3A_14 = arith.cmpf oeq, %div3A_10, %eq3A : vector<256x16xf32>
    %jit3A = arith.constant 16 : i32
    %broadcast_in_dim3A_15 = vector.broadcast %jit3A : i32 to vector<256x16xi32>
    %select_n3A = arith.select %eq3A_14, %iota3A, %broadcast_in_dim3A_15 : vector<256x16xi1>, vector<256x16xi32>
    %reduce_min3A = arith.constant dense<2147483647> : vector<256xi32>
    %reduce_min3A_16 = vector.multi_reduction <minsi>, %select_n3A, %reduce_min3A [1] : vector<256x16xi32> to vector<256xi32>
    %broadcast_in_dim3A_17 = vector.shape_cast %reduce_min3A_16 : vector<256xi32> to vector<256x1xi32>
    %eq3A_18 = vector.broadcast %broadcast_in_dim3A_17 : vector<256x1xi32> to vector<256x16xi32>
    %eq3A_19 = arith.cmpi eq, %iota3A, %eq3A_18 : vector<256x16xi32>
    %jit3A_20 = arith.constant -1.000000e+00 : f32
    %broadcast_in_dim3A_21 = vector.broadcast %jit3A_20 : f32 to vector<256x16xf32>
    %select_n3A_22 = arith.select %eq3A_19, %broadcast_in_dim3A_21, %div3A_10 : vector<256x16xi1>, vector<256x16xf32>
    %reduce_max3A_23 = arith.constant dense<0xFF800000> : vector<256xf32>
    %reduce_max3A_24 = vector.multi_reduction <maximumf>, %select_n3A_22, %reduce_max3A_23 [1] : vector<256x16xf32> to vector<256xf32>
    %broadcast_in_dim3A_25 = vector.shape_cast %reduce_max3A_24 : vector<256xf32> to vector<256x1xf32>
    %eq3A_26 = vector.broadcast %broadcast_in_dim3A_25 : vector<256x1xf32> to vector<256x16xf32>
    %eq3A_27 = arith.cmpf oeq, %select_n3A_22, %eq3A_26 : vector<256x16xf32>
    %jit3A_28 = arith.constant 16 : i32
    %broadcast_in_dim3A_29 = vector.broadcast %jit3A_28 : i32 to vector<256x16xi32>
    %select_n3A_30 = arith.select %eq3A_27, %iota3A, %broadcast_in_dim3A_29 : vector<256x16xi1>, vector<256x16xi32>
    %reduce_min3A_31 = arith.constant dense<2147483647> : vector<256xi32>
    %reduce_min3A_32 = vector.multi_reduction <minsi>, %select_n3A_30, %reduce_min3A_31 [1] : vector<256x16xi32> to vector<256xi32>
    %broadcast_in_dim3A_33 = vector.shape_cast %reduce_min3A_32 : vector<256xi32> to vector<256x1xi32>
    %add3A = arith.addf %broadcast_in_dim3A_13, %broadcast_in_dim3A_25 : vector<256x1xf32>
    %add3A_34 = arith.constant 9.99999968E-21 : f32
    %add3A_35 = vector.broadcast %add3A_34 : f32 to vector<256x1xf32>
    %add3A_36 = arith.addf %add3A, %add3A_35 : vector<256x1xf32>
    %concatenate3A = tpu.concatenate %broadcast_in_dim3A_17, %broadcast_in_dim3A_33 in 1 : vector<256x1xi32>, vector<256x1xi32> -> vector<256x2xi32>
    %swap3A = arith.constant 0 : index
    %swap3A_37 = arith.constant 0 : index
    %swap3A_38 = vector.load %arg6[%swap3A, %swap3A_37] : memref<256x2xi32, #tpu.memory_space<vmem>>, vector<256x2xi32>
    tpu.vector_store %arg6[%swap3A, %swap3A_37], %concatenate3A {strides = array<i32>} : memref<256x2xi32, #tpu.memory_space<vmem>>, vector<256x2xi32>,
    %div3A_39 = arith.divf %broadcast_in_dim3A_13, %add3A_36 : vector<256x1xf32>
    %div3A_40 = arith.divf %broadcast_in_dim3A_25, %add3A_36 : vector<256x1xf32>
    %concatenate3A_41 = tpu.concatenate %div3A_39, %div3A_40 in 1 : vector<256x1xf32>, vector<256x1xf32> -> vector<256x2xf32>
    %swap3A_42 = arith.constant 0 : index
    %swap3A_43 = arith.constant 0 : index
    %swap3A_44 = vector.load %arg7[%swap3A_42, %swap3A_43] : memref<256x2xf32, #tpu.memory_space<vmem>>, vector<256x2xf32>
    tpu.vector_store %arg7[%swap3A_42, %swap3A_43], %concatenate3A_41 {strides = array<i32>} : memref<256x2xf32, #tpu.memory_space<vmem>>, vector<256x2xf32>,
    %convert_element_type3A = arith.truncf %get3A_1 : vector<256x768xf32> to vector<256x768xbf16>
    %get3A_45 = arith.constant 0 : index
    %get3A_46 = arith.constant 0 : index
    %get3A_47 = vector.load %arg3[%get3A_45, %get3A_46] : memref<768x768xbf16, #tpu.memory_space<vmem>>, vector<768x768xbf16>
    %dot_general3A_48 = arith.constant dense<0.000000e+00> : vector<256x768xf32>
    %dot_general3A_49 = tpu.matmul %convert_element_type3A, %get3A_47, %dot_general3A_48 {dimension_numbers = #tpu.dot_dimension_numbers<[1], [1], [0], [0], [0, 0, 1, 0], [], []>, transpose_lhs_hint = false} : vector<256x768xbf16>, vector<768x768xbf16>, vector<256x768xf32> -> vector<256x768xf32>
    %get3A_50 = arith.constant 0 : index
    %get3A_51 = arith.constant 0 : index
    %get3A_52 = vector.load %arg4[%get3A_50, %get3A_51] : memref<768x768xbf16, #tpu.memory_space<vmem>>, vector<768x768xbf16>
    %dot_general3A_53 = arith.constant dense<0.000000e+00> : vector<256x768xf32>
    %dot_general3A_54 = tpu.matmul %convert_element_type3A, %get3A_52, %dot_general3A_53 {dimension_numbers = #tpu.dot_dimension_numbers<[1], [1], [0], [0], [0, 0, 1, 0], [], []>, transpose_lhs_hint = false} : vector<256x768xbf16>, vector<768x768xbf16>, vector<256x768xf32> -> vector<256x768xf32>
    %logistic3A = arith.negf %dot_general3A_49 : vector<256x768xf32>
    %logistic3A_55 = math.exp %logistic3A : vector<256x768xf32>
    %logistic3A_56 = arith.constant 1.000000e+00 : f32
    %logistic3A_57 = vector.broadcast %logistic3A_56 : f32 to vector<256x768xf32>
    %logistic3A_58 = arith.addf %logistic3A_57, %logistic3A_55 : vector<256x768xf32>
    %logistic3A_59 = arith.divf %logistic3A_57, %logistic3A_58 : vector<256x768xf32>
    %mul3A = arith.mulf %dot_general3A_49, %logistic3A_59 : vector<256x768xf32>
    %mul3A_60 = arith.mulf %mul3A, %dot_general3A_54 : vector<256x768xf32>
    %convert_element_type3A_61 = arith.truncf %mul3A_60 : vector<256x768xf32> to vector<256x768xbf16>
    %get3A_62 = arith.constant 0 : index
    %get3A_63 = arith.constant 0 : index
    %get3A_64 = vector.load %arg5[%get3A_62, %get3A_63] : memref<768x768xbf16, #tpu.memory_space<vmem>>, vector<768x768xbf16>
    %dot_general3A_65 = arith.constant dense<0.000000e+00> : vector<256x768xf32>
    %dot_general3A_66 = tpu.matmul %convert_element_type3A_61, %get3A_64, %dot_general3A_65 {dimension_numbers = #tpu.dot_dimension_numbers<[1], [0], [0], [1], [0, 0, 1, 1], [], []>, transpose_lhs_hint = false} : vector<256x768xbf16>, vector<768x768xbf16>, vector<256x768xf32> -> vector<256x768xf32>
    %swap3A_67 = arith.constant 0 : index
    %swap3A_68 = arith.constant 0 : index
    %swap3A_69 = vector.load %arg8[%swap3A_67, %swap3A_68] : memref<256x768xf32, #tpu.memory_space<vmem>>, vector<256x768xf32>
    tpu.vector_store %arg8[%swap3A_67, %swap3A_68], %dot_general3A_66 {strides = array<i32>} : memref<256x768xf32, #tpu.memory_space<vmem>>, vector<256x768xf32>,
    return
  }
  func.func @transform_0(%arg0: i32) -> (i32, i32) {
    %c0_i32 = arith.constant 0 : i32
    %c0_i32_0 = arith.constant 0 : i32
    return %arg0, %c0_i32 : i32, i32
  }
  func.func @transform_1(%arg0: i32) -> (i32, i32) {
    %c0_i32 = arith.constant 0 : i32
    %c0_i32_0 = arith.constant 0 : i32
    %c0_i32_1 = arith.constant 0 : i32
    return %c0_i32, %c0_i32_0 : i32, i32
  }
  func.func @transform_2(%arg0: i32) -> (i32, i32) {
    %c0_i32 = arith.constant 0 : i32
    %c0_i32_0 = arith.constant 0 : i32
    %c0_i32_1 = arith.constant 0 : i32
    return %c0_i32, %c0_i32_0 : i32, i32
  }
  func.func @transform_3(%arg0: i32) -> (i32, i32) {
    %c0_i32 = arith.constant 0 : i32
    %c0_i32_0 = arith.constant 0 : i32
    %c0_i32_1 = arith.constant 0 : i32
    return %c0_i32, %c0_i32_0 : i32, i32
  }
  func.func @transform_4(%arg0: i32) -> (i32, i32) {
    %c0_i32 = arith.constant 0 : i32
    %c0_i32_0 = arith.constant 0 : i32
    %c0_i32_1 = arith.constant 0 : i32
    return %c0_i32, %c0_i32_0 : i32, i32
  }
  func.func @transform_5(%arg0: i32) -> (i32, i32) {
    %c0_i32 = arith.constant 0 : i32
    %c0_i32_0 = arith.constant 0 : i32
    return %arg0, %c0_i32 : i32, i32
  }
  func.func @transform_6(%arg0: i32) -> (i32, i32) {
    %c0_i32 = arith.constant 0 : i32
    %c0_i32_0 = arith.constant 0 : i32
    return %arg0, %c0_i32 : i32, i32
  }
  func.func @transform_7(%arg0: i32) -> (i32, i32) {
    %c0_i32 = arith.constant 0 : i32
    %c0_i32_0 = arith.constant 0 : i32
    return %arg0, %c0_i32 : i32, i32
  }
}

module attributes {stable_mosaic.version = 14 : i64} {
  func.func @_grouped_mlp_body(%arg0: i32, %arg1: memref<80xi32, #tpu.memory_space<smem>>, %arg2: memref<256x768xf32, #tpu.memory_space<vmem>>, %arg3: memref<1x384x768xbf16, #tpu.memory_space<vmem>>, %arg4: memref<1x384x768xbf16, #tpu.memory_space<vmem>>, %arg5: memref<1x768x384xbf16, #tpu.memory_space<vmem>>, %arg6: memref<256x768xf32, #tpu.memory_space<vmem>>) attributes {dimension_semantics = [#tpu.dimension_semantics<arbitrary>], iteration_bounds = array<i64: 80>, scalar_prefetch = 1 : i64, scratch_operands = 0 : i64, tpu.core_type = #tpu.core_type<tc>, window_params = [{transform_indices = @transform_0, window_bounds = array<i64: 256, 768>}, {transform_indices = @transform_1, window_bounds = array<i64: 1, 384, 768>}, {transform_indices = @transform_2, window_bounds = array<i64: 1, 384, 768>}, {transform_indices = @transform_3, window_bounds = array<i64: 1, 768, 384>}, {transform_indices = @transform_4, window_bounds = array<i64: 256, 768>}]} {
    %get3A = arith.constant 0 : index
    %get3A_0 = arith.constant 0 : index
    %get3A_1 = vector.load %arg2[%get3A, %get3A_0] : memref<256x768xf32, #tpu.memory_space<vmem>>, vector<256x768xf32>
    %convert_element_type3A = arith.truncf %get3A_1 : vector<256x768xf32> to vector<256x768xbf16>
    %get3A_2 = arith.constant 0 : index
    %get3A_3 = arith.constant 0 : index
    %get3A_4 = arith.constant 0 : index
    %get3A_5 = vector.load %arg3[%get3A_2, %get3A_3, %get3A_4] : memref<1x384x768xbf16, #tpu.memory_space<vmem>>, vector<1x384x768xbf16>
    %get3A_6 = vector.shape_cast %get3A_5 : vector<1x384x768xbf16> to vector<384x768xbf16>
    %dot_general3A = arith.constant dense<0.000000e+00> : vector<256x384xf32>
    %dot_general3A_7 = tpu.matmul %convert_element_type3A, %get3A_6, %dot_general3A {dimension_numbers = #tpu.dot_dimension_numbers<[1], [1], [0], [0], [0, 0, 1, 0], [], []>, transpose_lhs_hint = false} : vector<256x768xbf16>, vector<384x768xbf16>, vector<256x384xf32> -> vector<256x384xf32>
    %get3A_8 = arith.constant 0 : index
    %get3A_9 = arith.constant 0 : index
    %get3A_10 = arith.constant 0 : index
    %get3A_11 = vector.load %arg4[%get3A_8, %get3A_9, %get3A_10] : memref<1x384x768xbf16, #tpu.memory_space<vmem>>, vector<1x384x768xbf16>
    %get3A_12 = vector.shape_cast %get3A_11 : vector<1x384x768xbf16> to vector<384x768xbf16>
    %dot_general3A_13 = arith.constant dense<0.000000e+00> : vector<256x384xf32>
    %dot_general3A_14 = tpu.matmul %convert_element_type3A, %get3A_12, %dot_general3A_13 {dimension_numbers = #tpu.dot_dimension_numbers<[1], [1], [0], [0], [0, 0, 1, 0], [], []>, transpose_lhs_hint = false} : vector<256x768xbf16>, vector<384x768xbf16>, vector<256x384xf32> -> vector<256x384xf32>
    %logistic3A = arith.negf %dot_general3A_7 : vector<256x384xf32>
    %logistic3A_15 = math.exp %logistic3A : vector<256x384xf32>
    %logistic3A_16 = arith.constant 1.000000e+00 : f32
    %logistic3A_17 = vector.broadcast %logistic3A_16 : f32 to vector<256x384xf32>
    %logistic3A_18 = arith.addf %logistic3A_17, %logistic3A_15 : vector<256x384xf32>
    %logistic3A_19 = arith.divf %logistic3A_17, %logistic3A_18 : vector<256x384xf32>
    %mul3A = arith.mulf %dot_general3A_7, %logistic3A_19 : vector<256x384xf32>
    %mul3A_20 = arith.mulf %mul3A, %dot_general3A_14 : vector<256x384xf32>
    %convert_element_type3A_21 = arith.truncf %mul3A_20 : vector<256x384xf32> to vector<256x384xbf16>
    %get3A_22 = arith.constant 0 : index
    %get3A_23 = arith.constant 0 : index
    %get3A_24 = arith.constant 0 : index
    %get3A_25 = vector.load %arg5[%get3A_22, %get3A_23, %get3A_24] : memref<1x768x384xbf16, #tpu.memory_space<vmem>>, vector<1x768x384xbf16>
    %get3A_26 = vector.shape_cast %get3A_25 : vector<1x768x384xbf16> to vector<768x384xbf16>
    %dot_general3A_27 = arith.constant dense<0.000000e+00> : vector<256x768xf32>
    %dot_general3A_28 = tpu.matmul %convert_element_type3A_21, %get3A_26, %dot_general3A_27 {dimension_numbers = #tpu.dot_dimension_numbers<[1], [1], [0], [0], [0, 0, 1, 0], [], []>, transpose_lhs_hint = false} : vector<256x384xbf16>, vector<768x384xbf16>, vector<256x768xf32> -> vector<256x768xf32>
    %swap3A = arith.constant 0 : index
    %swap3A_29 = arith.constant 0 : index
    %swap3A_30 = vector.load %arg6[%swap3A, %swap3A_29] : memref<256x768xf32, #tpu.memory_space<vmem>>, vector<256x768xf32>
    tpu.vector_store %arg6[%swap3A, %swap3A_29], %dot_general3A_28 {strides = array<i32>} : memref<256x768xf32, #tpu.memory_space<vmem>>, vector<256x768xf32>,
    return
  }
  func.func @transform_0(%arg0: i32, %arg1: memref<80xi32, #tpu.memory_space<smem>>) -> (i32, i32) {
    %c0_i32 = arith.constant 0 : i32
    %c0_i32_0 = arith.constant 0 : i32
    return %arg0, %c0_i32 : i32, i32
  }
  func.func @transform_1(%arg0: i32, %arg1: memref<80xi32, #tpu.memory_space<smem>>) -> (i32, i32, i32) {
    %get3A = arith.index_cast %arg0 : i32 to index
    %get3A_0 = memref.load %arg1[%get3A] : memref<80xi32, #tpu.memory_space<smem>>
    %c0_i32 = arith.constant 0 : i32
    %c0_i32_1 = arith.constant 0 : i32
    %c0_i32_2 = arith.constant 0 : i32
    return %get3A_0, %c0_i32, %c0_i32_1 : i32, i32, i32
  }
  func.func @transform_2(%arg0: i32, %arg1: memref<80xi32, #tpu.memory_space<smem>>) -> (i32, i32, i32) {
    %get3A = arith.index_cast %arg0 : i32 to index
    %get3A_0 = memref.load %arg1[%get3A] : memref<80xi32, #tpu.memory_space<smem>>
    %c0_i32 = arith.constant 0 : i32
    %c0_i32_1 = arith.constant 0 : i32
    %c0_i32_2 = arith.constant 0 : i32
    return %get3A_0, %c0_i32, %c0_i32_1 : i32, i32, i32
  }
  func.func @transform_3(%arg0: i32, %arg1: memref<80xi32, #tpu.memory_space<smem>>) -> (i32, i32, i32) {
    %get3A = arith.index_cast %arg0 : i32 to index
    %get3A_0 = memref.load %arg1[%get3A] : memref<80xi32, #tpu.memory_space<smem>>
    %c0_i32 = arith.constant 0 : i32
    %c0_i32_1 = arith.constant 0 : i32
    %c0_i32_2 = arith.constant 0 : i32
    return %get3A_0, %c0_i32, %c0_i32_1 : i32, i32, i32
  }
  func.func @transform_4(%arg0: i32, %arg1: memref<80xi32, #tpu.memory_space<smem>>) -> (i32, i32) {
    %c0_i32 = arith.constant 0 : i32
    %c0_i32_0 = arith.constant 0 : i32
    return %arg0, %c0_i32 : i32, i32
  }
}

module attributes {stable_mosaic.version = 14 : i64} {
  func.func @_combine_body(%arg0: i32, %arg1: memref<256x768xf32, #tpu.memory_space<vmem>>, %arg2: memref<256x768xf32, #tpu.memory_space<vmem>>, %arg3: memref<256x768xf32, #tpu.memory_space<vmem>>, %arg4: memref<256x2xf32, #tpu.memory_space<vmem>>, %arg5: memref<256x768xf32, #tpu.memory_space<vmem>>) attributes {dimension_semantics = [#tpu.dimension_semantics<arbitrary>], iteration_bounds = array<i64: 32>, scalar_prefetch = 0 : i64, scratch_operands = 0 : i64, tpu.core_type = #tpu.core_type<tc>, window_params = [{transform_indices = @transform_0, window_bounds = array<i64: 256, 768>}, {transform_indices = @transform_1, window_bounds = array<i64: 256, 768>}, {transform_indices = @transform_2, window_bounds = array<i64: 256, 768>}, {transform_indices = @transform_3, window_bounds = array<i64: 256, 2>}, {transform_indices = @transform_4, window_bounds = array<i64: 256, 768>}]} {
    %get3A = arith.constant 0 : index
    %get3A_0 = arith.constant 0 : index
    %get3A_1 = vector.load %arg4[%get3A, %get3A_0] : memref<256x2xf32, #tpu.memory_space<vmem>>, vector<256x2xf32>
    %get3A_2 = arith.constant 0 : index
    %get3A_3 = arith.constant 0 : index
    %get3A_4 = vector.load %arg1[%get3A_2, %get3A_3] : memref<256x768xf32, #tpu.memory_space<vmem>>, vector<256x768xf32>
    %slice3A = vector.extract_strided_slice %get3A_1 {offsets = [0, 0], sizes = [256, 1], strides = [1, 1]} : vector<256x2xf32> to vector<256x1xf32>
    %mul3A = vector.broadcast %slice3A : vector<256x1xf32> to vector<256x768xf32>
    %mul3A_5 = arith.mulf %get3A_4, %mul3A : vector<256x768xf32>
    %get3A_6 = arith.constant 0 : index
    %get3A_7 = arith.constant 0 : index
    %get3A_8 = vector.load %arg2[%get3A_6, %get3A_7] : memref<256x768xf32, #tpu.memory_space<vmem>>, vector<256x768xf32>
    %slice3A_9 = vector.extract_strided_slice %get3A_1 {offsets = [0, 1], sizes = [256, 1], strides = [1, 1]} : vector<256x2xf32> to vector<256x1xf32>
    %mul3A_10 = vector.broadcast %slice3A_9 : vector<256x1xf32> to vector<256x768xf32>
    %mul3A_11 = arith.mulf %get3A_8, %mul3A_10 : vector<256x768xf32>
    %add3A = arith.addf %mul3A_5, %mul3A_11 : vector<256x768xf32>
    %get3A_12 = arith.constant 0 : index
    %get3A_13 = arith.constant 0 : index
    %get3A_14 = vector.load %arg3[%get3A_12, %get3A_13] : memref<256x768xf32, #tpu.memory_space<vmem>>, vector<256x768xf32>
    %add3A_15 = arith.addf %add3A, %get3A_14 : vector<256x768xf32>
    %swap3A = arith.constant 0 : index
    %swap3A_16 = arith.constant 0 : index
    %swap3A_17 = vector.load %arg5[%swap3A, %swap3A_16] : memref<256x768xf32, #tpu.memory_space<vmem>>, vector<256x768xf32>
    tpu.vector_store %arg5[%swap3A, %swap3A_16], %add3A_15 {strides = array<i32>} : memref<256x768xf32, #tpu.memory_space<vmem>>, vector<256x768xf32>,
    return
  }
  func.func @transform_0(%arg0: i32) -> (i32, i32) {
    %c0_i32 = arith.constant 0 : i32
    %c0_i32_0 = arith.constant 0 : i32
    return %arg0, %c0_i32 : i32, i32
  }
  func.func @transform_1(%arg0: i32) -> (i32, i32) {
    %add3A = arith.constant 32 : i32
    %add3A_0 = arith.addi %arg0, %add3A : i32
    %c0_i32 = arith.constant 0 : i32
    %c0_i32_1 = arith.constant 0 : i32
    return %add3A_0, %c0_i32 : i32, i32
  }
  func.func @transform_2(%arg0: i32) -> (i32, i32) {
    %c0_i32 = arith.constant 0 : i32
    %c0_i32_0 = arith.constant 0 : i32
    return %arg0, %c0_i32 : i32, i32
  }
  func.func @transform_3(%arg0: i32) -> (i32, i32) {
    %c0_i32 = arith.constant 0 : i32
    %c0_i32_0 = arith.constant 0 : i32
    return %arg0, %c0_i32 : i32, i32
  }
  func.func @transform_4(%arg0: i32) -> (i32, i32) {
    %c0_i32 = arith.constant 0 : i32
    %c0_i32_0 = arith.constant 0 : i32
    return %arg0, %c0_i32 : i32, i32
  }
}

</mosaic_0001>

<sc_bundles>
// kernel: _moe.10.cloned.1.call-start
scs
__scs_entry_jumppad:
0x0: {  	(pc) =	sbr.rel $0x88, $3  }
0x1: {  	(tag) =	ssettag $0x0;
	lr =	simm.s32 $0x1  }
0x2: {  	[smem:$0x3F99] =	sst lr;
	_ =	strace $0xD0000000  }
0x3: {  	_ = 	snop  }
0x4: {  	_ = 	snop  }
0x5: {  	_ = 	snop  }
0x6: {  	_ = 	snop  }
0x7: {  	_ = 	snop  }
__scs_overlays_trampoline_lowered:
0x8: {  	[smem:$0x3FA8] =	sst s0  }
0x9: {  	[smem:$0x3FA9] =	sst s1  }
0xa: {  	[smem:$0x3FAA] =	sst s2  }
0xb: {  	[smem:$0x3FAB] =	sst s3  }
0xc: {  	[smem:$0x3FAC] =	sst s4  }
0xd: {  	[smem:$0x3FAD] =	sst s5  }
0xe: {  	[smem:$0x3FAE] =	sst s6  }
0xf: {  	[smem:$0x3FAF] =	sst s7  }
0x10: {  	[smem:$0x3FB0] =	sst s8  }
0x11: {  	[smem:$0x3FB1] =	sst s9;
	s0 =	simm.s32 @!p0 $0x0  }
0x12: {  	s1 =	sld [smem:$0x3F97];
	s0 =	simm.s32 @p0 $0x1  }
0x13: {  	[smem:$0x3FB2] =	sst s0;
	s0 =	simm.s32 @!p1 $0x0  }
0x14: {  	s2 =	sld [smem:$0x3F96];
	s0 =	simm.s32 @p1 $0x1  }
0x15: {  	[smem:$0x3FB3] =	sst s0;
	s0 =	simm.s32 @!p2 $0x0  }
0x16: {  	s3 =	sld [smem:$0x3FDB];
	s0 =	simm.s32 @p2 $0x1  }
0x17: {  	s4 =	simm.s32 $0x1BF5;
	[smem:$0x3FB5] =	sst s0  }
0x18: {  	s0 =	sld [smem:$0x3F98];
	_ =	swait.ge [sflag:s4], $0x0  }
0x19: {  	s7 =	sld [smem:$0x3F99]  }
0x1a: {  	s8 =	sadd.s32 $0xFFFFE003, lr  }
0x1b: {  	s9 =	sadd.s32 $0xFFFFFEF7, lr;
	s5 =	simm.s32 $0xFFFFFFFF;
	p2 =	slt.u32 s8, $0xFFFFF086  }
0x1c: {  	p1 =	slt.u32 s9, $0xF7A;
	s5 =	simm.s32 @!p2 $0x0  }
0x1d: {  	s5 =	simm.s32 @p1 $0x1;
	p0 =	seq.s32 s7, s2  }
0x1e: {  	s7 =	smul.u32 @!p0 $0xF7A, s2;
	p2 =	seq.s32 @!p0 s5, $0x0  }
0x1f: {  	s9 =	smul.u32 $0xF7A, s1;
	s8 =	simm.s32 @!p0 $0x1BF5;
	p2 =	por !p2, p0  }
0x20: {  	[sflag:s8] =	ssyncset.s32 @!p0 $0xFFFFF086;
	s6 =	sadd.s32 @!p0 s3, s7;
	s7 =	simm.s32 @!p0 $0x108  }
0x21: {  	s3 =	sadd.s32 s3, s9;
	s6 =	sadd.s32 @!p0 $0x88, s6;
	s7 =	simm.s32 @p2 $0x1082  }
0x22: {  	[simem:s7], [sflag:s8] =	dma.local @!p0 [hbm:s6], $0xF7A  }
0x23: {  	s9 =	sor.u32 $0xD0000000, s2;
	s6 =	simm.s32 $0x108;
	_ =	swait.ge @!p0 [sflag:s8], $0x0  }
0x24: {  	s3 =	sadd.s32 $0x88, s3;
	s6 =	simm.s32 @!p1 $0x1082;
	[sflag:s4] =	ssyncset.s32 $0xFFFFF086  }
0x25: {  	[simem:s6], [sflag:s4] =	dma.local [hbm:s3], $0xF7A  }
0x26: {  	[smem:$0x3F99] =	sst s1;
	(tag) =	ssettag s2;
	_ =	strace s9  }
0x27: {  	s1 =	sld [smem:$0x3FA9]  }
0x28: {  	s2 =	sld [smem:$0x3FAA]  }
0x29: {  	s4 =	sld [smem:$0x3FAC]  }
0x2a: {  	p0 =	seq.s32 s5, $0x0;
	s5 =	sld [smem:$0x3FAD]  }
0x2b: {  	s6 =	sld [smem:$0x3FAE]  }
0x2c: {  	s7 =	sld [smem:$0x3FAF]  }
0x2d: {  	s3 =	simm.s32 $0x108;
	s8 =	sld [smem:$0x3FB0]  }
0x2e: {  	s3 =	simm.s32 @!p0 $0x1082;
	s9 =	sld [smem:$0x3FB1]  }
0x2f: {  	lr =	sadd.s32 s0, s3;
	s0 =	sld [smem:$0x3FA8]  }
0x30: {  	s3 =	sld [smem:$0x3FAB]  }
0x31: {  	[smem:$0x3FB4] =	sst s10  }
0x32: {  	s10 =	sld [smem:$0x3FB2];
	_ =	sdelay $0x3  }
0x33: {  	p0 =	seq.s32 s10, $0x1;
	s10 =	sld [smem:$0x3FB4];
	_ =	sdelay $0x3  }
0x34: {  	[smem:$0x3FB4] =	sst s10  }
0x35: {  	s10 =	sld [smem:$0x3FB3];
	_ =	sdelay $0x3  }
0x36: {  	p1 =	seq.s32 s10, $0x1;
	s10 =	sld [smem:$0x3FB4];
	_ =	sdelay $0x3  }
0x37: {  	[smem:$0x3FB4] =	sst s10  }
0x38: {  	s10 =	sld [smem:$0x3FB5]  }
0x39: {  	_ = 	snop;
	(pc) =	sbr.ind lr, $3  }
0x3a: {  	_ = 	snop  }
0x3b: {  	_ = 	snop  }
0x3c: {  	p2 =	seq.s32 s10, $0x1;
	s10 =	sld [smem:$0x3FB4]  }
0x3d: {  	_ =	shalt  }
0x3e: {  	_ =	shalt  }
0x3f: {  	_ =	shalt  }
0x40: {  	_ =	shalt  }
0x41: {  	_ =	shalt  }
0x42: {  	_ =	shalt  }
0x43: {  	_ =	shalt  }
0x44: {  	_ =	shalt  }
0x45: {  	_ =	shalt  }
0x46: {  	_ =	shalt  }
0x47: {  	_ =	shalt  }
0x48: {  	_ =	shalt  }
0x49: {  	_ =	shalt  }
0x4a: {  	_ =	shalt  }
0x4b: {  	_ =	shalt  }
0x4c: {  	_ =	shalt  }
0x4d: {  	_ =	shalt  }
0x4e: {  	_ =	shalt  }
0x4f: {  	_ =	shalt  }
0x50: {  	_ =	shalt  }
0x51: {  	_ =	shalt  }
0x52: {  	_ =	shalt  }
0x53: {  	_ =	shalt  }
0x54: {  	_ =	shalt  }
0x55: {  	_ =	shalt  }
0x56: {  	_ =	shalt  }
0x57: {  	_ =	shalt  }
0x58: {  	_ =	shalt  }
0x59: {  	_ =	shalt  }
0x5a: {  	_ =	shalt  }
0x5b: {  	_ =	shalt  }
0x5c: {  	_ =	shalt  }
0x5d: {  	_ =	shalt  }
0x5e: {  	_ =	shalt  }
0x5f: {  	_ =	shalt  }
0x60: {  	_ =	shalt  }
0x61: {  	_ =	shalt  }
0x62: {  	_ =	shalt  }
0x63: {  	_ =	shalt  }
0x64: {  	_ =	shalt  }
0x65: {  	_ =	shalt  }
0x66: {  	_ =	shalt  }
0x67: {  	_ =	shalt  }
0x68: {  	_ =	shalt  }
0x69: {  	_ =	shalt  }
0x6a: {  	_ =	shalt  }
0x6b: {  	_ =	shalt  }
0x6c: {  	_ =	shalt  }
0x6d: {  	_ =	shalt  }
0x6e: {  	_ =	shalt  }
0x6f: {  	_ =	shalt  }
0x70: {  	_ =	shalt  }
0x71: {  	_ =	shalt  }
0x72: {  	_ =	shalt  }
0x73: {  	_ =	shalt  }
0x74: {  	_ =	shalt  }
0x75: {  	_ =	shalt  }
0x76: {  	_ =	shalt  }
0x77: {  	_ =	shalt  }
0x78: {  	_ =	shalt  }
0x79: {  	_ =	shalt  }
0x7a: {  	_ =	shalt  }
0x7b: {  	_ =	shalt  }
0x7c: {  	_ =	shalt  }
0x7d: {  	_ =	shalt  }
0x7e: {  	_ =	shalt  }
0x7f: {  	_ =	shalt  }
0x80: {  	_ =	shalt  }
0x81: {  	_ =	shalt  }
0x82: {  	_ =	shalt  }
0x83: {  	_ =	shalt  }
0x84: {  	_ =	shalt  }
0x85: {  	_ =	shalt  }
0x86: {  	_ =	shalt  }
0x87: {  	_ =	shalt  }
.Lfunc_end0:
.L_simem_size_0:
called_computation.2_lowered:
.L_overlay_start_0:
0x88: {  	s2 =	sld [smem:$0x3FD9]  }
0x89: {  	s3 =	sld [smem:$0x3FFE];
	_ =	sdelay $0x1  }
0x8a: {  	s1 =	srdreg.scid  }
0x8b: {  	s0 =	sand.u32 $0x1, s1  }
0x8c: {  	s17 =	sshll.u32 s0, $0xA;
	s2 =	sadd.s32 s3, s2  }
0x8d: {  	s2 =	sadd.s32 s2, s17  }
0x8e: {  	[smem:$0x3FC0] =	sst s2  }
0x8f: {  	_ = 	snop  }
0x90: {  	s2 =	sld [smem:$0x3FD0];
	(tm) =	ssettm $0x1  }
0x91: {  	s18 =	sld [smem:$0x3FFB];
	_ =	sdelay $0x3  }
0x92: {  	_ =	strace s18  }
0x93: {  	s3 =	sld [smem:$0x3FFC];
	_ =	sdelay $0x3  }
0x94: {  	_ =	strace s3  }
0x95: {  	s3 =	sld [smem:$0x3FFD];
	_ =	sdelay $0x3  }
0x96: {  	_ =	strace s3  }
0x97: {  	_ =	strace $0x8FFFFFFF  }
0x98: {  	s19 =	sld [smem:$0x3FDB];
	_ =	sdelay $0x1  }
0x99: {  	s4 =	simm.s32 $_scs_section_size  }
0x9a: {  	s5 =	simm.s32 $_size__tile_overlayer_lowered;
	s6 =	simm.s32 $_tile_overlayer_lowered  }
0x9b: {  	s22 =	simm.s32 $0x1BFF;
	s21 =	sshll.u32 s6, $0x1;
	s3 =	sadd.s32 s4, s19  }
0x9c: {  	s7 =	simm.s32 $0x0;
	s20 =	sshll.u32 s5, $0x1;
	s5 =	sadd.s32 s21, s3  }
0x9d: {  	[timem:s7], [sflag:s22] =	dma.local [hbm:s5], s20  }
0x9e: {  	_ =	swait.ge [sflag:s22], s20  }
0x9f: {  	s4 =	ssub.s32 $0x0, s20;
	[sflag:s22] =	ssyncset.done $0x0  }
0xa0: {  	[sflag:s22] =	ssyncadd.s32 s4;
	_ =	sdelay $0x1  }
0xa1: {  	s23 =	simm.s32 $0x1B8B  }
0xa2: {  	_ =	swait.ge [sflag:s23], $0x1  }
0xa3: {  	[sflag:s23] =	ssyncset.done $0x0  }
0xa4: {  	s25 =	simm.s32 $0x1B8E;
	s24 =	sld [smem:$0x3FFE];
	[sflag:s23] =	ssyncadd.s32 $0xFFFFFFFF  }
0xa5: {  	s26 =	simm.s32 $execute0_lowered;
	[smem:$0x3FD2] =	sst s25  }
0xa6: {  	s5 =	sshll.u32 s26, $0x1;
	_ =	strace $0x8000004C;
	[dreg:$0x1] =	wrdreg $0xFFFFFFFF  }
0xa7: {  	s28 =	simm.s32 $_size_execute0_lowered;
	s3 =	sadd.s32 s3, s5;
	[dreg:$0x0] =	wrdreg $0x0  }
0xa8: {  	s5 =	sshll.u32 s28, $0x1;
	[dreg:$0x2] =	wrdreg s3  }
0xa9: {  	[dreg:$0x3] =	wrdreg s5  }
0xaa: {  	[dreg:$0x4] =	wrdreg $0xC0  }
0xab: {  	_ =	task [dreg:s7], $0x5FFFF  }
0xac: {  	[dreg:$0x1] =	wrdreg $0xFFFFFFFF  }
0xad: {  	[dreg:$0x0] =	wrdreg $0x60  }
0xae: {  	[dreg:$0x2] =	wrdreg s24  }
0xaf: {  	[dreg:$0x3] =	wrdreg s2  }
0xb0: {  	[dreg:$0x4] =	wrdreg $0x9  }
0xb1: {  	_ =	task.clear_ibuf [dreg:s7], $0x5FFFF;
	_ =	strace $0x9000004C  }
0xb2: {  	s29 =	simm.s32 $0x9;
	_ =	strace $0x8000004E  }
0xb3: {  	_ =	swait.ge [sflag:s29], $0x1  }
0xb4: {  	[sflag:s29] =	ssyncadd.s32 $0xFFFFFFFF  }
0xb5: {  	_ =	strace $0x9000004E  }
0xb6: {  	_ =	sfence  }
0xb7: {  	s30 =	sld [smem:$0x0];
	_ =	sdelay $0x2  }
0xb8: {  	s31 =	sshll.u32 s1, $0xD;
	s1 =	sshrl.u32 s1, $0x2  }
0xb9: {  	s3 =	sand.u32 $0x4000, s31;
	s1 =	sadd.s32 s1, s30  }
0xba: {  	s0 =	sor.u32 s3, s0;
	s1 =	sshll.u32 s1, $0x11  }
0xbb: {  	s0 =	sor.u32 s1, s0  }
0xbc: {  	s0 =	sadd.s32 $0x8F2B, s0  }
0xbd: {  	[sflag:s0] =	ssyncadd.remote.s32 $0x1  }
0xbe: {  	_ =	sfence.sel $0xFFFF  }
0xbf: {  	[dreg:$0x0] =	wrdreg $0xFFFFFFFF;
	(pc) =	sbr.abs _section_cstart, $3  }
0xc0: {  	[dreg:$0x1] =	wrdreg $0xFFFFFFFF  }
0xc1: {  	_ =	task.clear_ibuf [dreg:s7], $0x2FFFF;
	_ =	strace $0x9FFFFFFF  }
0xc2: {  	(tm) =	ssettm $0x7FFFFFFF  }
0xc3: {  	_ =	shalt  }
tec
execute0_lowered:
.L_overlay_start_1:
0x0: {  	(tag) =	ssettag $0x1  }
0x1: {  	s0 =	rddreg [dreg:$0x0]  }
0x2: {  	s3 =	rddreg [dreg:$0x1];
	s2 =	simm.s32 $0x0  }
0x3: {  	s18 =	simm.s32 $0x880;
	[smem:$0x7FF] =	sst s2  }
0x4: {  	s19 =	simm.s32 $0x1080;
	_ =	strace $0x8000004D;
	[dreg:$0x4] =	wrdreg s18  }
0x5: {  	s20 =	simm.s32 $0x1880;
	[dreg:$0x5] =	wrdreg s19  }
0x6: {  	s21 =	simm.s32 $0x2080;
	[dreg:$0x6] =	wrdreg s20  }
0x7: {  	s22 =	simm.s32 $0x2880;
	[dreg:$0x7] =	wrdreg s21  }
0x8: {  	s23 =	simm.s32 $0x3080;
	[dreg:$0x8] =	wrdreg s22  }
0x9: {  	s6 =	stileid.u32;
	s24 =	simm.s32 $0x3880;
	[dreg:$0x9] =	wrdreg s23  }
0xa: {  	s1 =	srdreg.scid;
	s25 =	simm.s32 $0x4080;
	[dreg:$0xa] =	wrdreg s24  }
0xb: {  	s26 =	simm.s32 $0x4880;
	s7 =	simm.s32 $0x6080;
	[dreg:$0xb] =	wrdreg s25  }
0xc: {  	s8 =	simm.s32 $0x6880;
	s9 =	simm.s32 $0x7080;
	[dreg:$0xc] =	wrdreg s26  }
0xd: {  	s10 =	simm.s32 $0x7880;
	s11 =	simm.s32 $0x8080;
	[dreg:$0xf] =	wrdreg s7  }
0xe: {  	s13 =	simm.s32 $0x8880;
	s14 =	simm.s32 $0x9080;
	[dreg:$0x10] =	wrdreg s8  }
0xf: {  	s15 =	simm.s32 $0x9880;
	s17 =	simm.s32 $0xA080;
	[dreg:$0x11] =	wrdreg s9  }
0x10: {  	s28 =	simm.s32 $0x17080;
	s29 =	simm.s32 $0x17880;
	[dreg:$0x12] =	wrdreg s10  }
0x11: {  	s30 =	simm.s32 $0x1;
	s31 =	simm.s32 $0x0;
	[dreg:$0x13] =	wrdreg s11  }
0x12: {  	s1 =	sand.u32 $0x1, s1;
	s4 =	sshll.u32 s6, $0x7;
	[dreg:$0x14] =	wrdreg s13  }
0x13: {  	s12 =	smul.u32 $0x18000, s6;
	s5 =	sshll.u32 s1, $0x6;
	[dreg:$0x15] =	wrdreg s14  }
0x14: {  	s3 =	sadd.s32 s4, s3;
	s4 =	simm.s32 $0x5080;
	[dreg:$0x16] =	wrdreg s15  }
0x15: {  	s16 =	ssub.s32 $0x2, s1;
	[dreg:$0x17] =	wrdreg s17;
	s19 =	simm.s32 $0xA880  }
0x16: {  	s20 =	simm.s32 $0xB080;
	s8 =	simm.s32 $0xB880;
	s21 =	simm.s32 $0xC080  }
0x17: {  	s1 =	smul.u32 $0xC000, s1;
	s22 =	simm.s32 $0xC880;
	[dreg:$0xd] =	wrdreg s4  }
0x18: {  	s23 =	simm.s32 $0xD080;
	s24 =	simm.s32 $0xD880;
	[dreg:$0x18] =	wrdreg s19  }
0x19: {  	s26 =	simm.s32 $0xE080;
	s9 =	simm.s32 $0x80;
	[dreg:$0x19] =	wrdreg s20  }
0x1a: {  	s10 =	simm.s32 $0xE880;
	s11 =	simm.s32 $0xF080;
	[dreg:$0x1a] =	wrdreg s8  }
0x1b: {  	s13 =	simm.s32 $0x10080;
	s14 =	simm.s32 $0x10880;
	[dreg:$0x1b] =	wrdreg s21  }
0x1c: {  	s15 =	simm.s32 $0x11080;
	s17 =	simm.s32 $0x12080;
	[dreg:$0x1c] =	wrdreg s22  }
0x1d: {  	s3 =	sadd.s32 s5, s3;
	s5 =	simm.s32 $0x5880;
	[dreg:$0x1d] =	wrdreg s23  }
0x1e: {  	s7 =	sadd.s32 s12, s0;
	s18 =	sshrl.u32 s16, $0x1;
	[dreg:$0x1e] =	wrdreg s24  }
0x1f: {  	s4 =	sadd.s32 $0x2C9300, s0;
	s8 =	simm.s32 $0x2;
	[dreg:$0x1f] =	wrdreg s26  }
0x20: {  	s12 =	simm.s32 $0xF880;
	s19 =	simm.s32 $0x13080;
	s20 =	simm.s32 $0x13880  }
0x21: {  	s21 =	simm.s32 $0x14080;
	s22 =	simm.s32 $0x14880;
	s23 =	simm.s32 $0x15080  }
0x22: {  	s24 =	simm.s32 $0x15880;
	s26 =	simm.s32 $0x16880;
	[dreg:$0x3] =	wrdreg s3  }
0x23: {  	[dreg:$0xe] =	wrdreg s5;
	s3 =	sadd.s32 $0x2C9200, s0;
	s6 =	ssub.s32 s16, s18  }
0x24: {  	v2 =	vlaneseq.u32;
	s5 =	sadd.s32 $0x2C9400, s0;
	s1 =	sadd.s32 s1, s7;
	s6 =	smax.u32 s6, $0x1  }
0x25: {  	vm0 =	vmmov $0xffff;
	v1 =	vshrl.u32 v2, $0x3;
	s16 =	simm.s32 $0x11880;
	s25 =	sadd.s32 $0xE0000, s1;
	[smem:$0x7FC] =	sst s6  }
0x26: {  	v0 =	vand.u32 $0x7, v2;
	v2 =	vor.u32 $0x8, v2;
	v1 =	vmul.u32 $0x8, v1;
	s18 =	simm.s32 $0x12880;
	[smem:$0x7FD] =	sst s25;
	s25 =	simm.s32 $0x16080  }
.LBB2_1:
0x27: {  	s7 =	sld [smem:$0x7FD];
	s1 =	simm.s32 $0x0  }
.LBB2_2:
0x28: {  	s6 =	rddreg [dreg:$0x3]  }
0x29: {  	s6 =	sadd.s32 s1, s6  }
0x2a: {  	[tilespmem:s2], [sflag:$0x2] =	stream.linear.gather [hbm4b:s6+s2], $0x80, $0x38;
	[tilespmem:$0x18080] =	vst v63  }
0x2b: {  	_ =	swait.ge [sflag:s8], $0x80  }
0x2c: {  	[sflag:s8] =	ssyncset.done $0x0  }
0x2d: {  	[sflag:s8] =	ssyncadd.s32 $0xFFFFFF80  }
0x2e: {  	v3 =	vld [tilespmem:$0x0];
	_ =	sdelay $0x4  }
0x2f: {  	v4 =	vshrl.u32 v3, $0x3  }
0x30: {  	v4 =	vmul.u32 $0x30, v4  }
0x31: {  	v3 =	vand.u32 $0x7, v3  }
0x32: {  	v3 =	vor.u32 v3, v4  }
0x33: {  	v4 =	vperm.xlane v3, v0;
	_ =	sdelay $0x1  }
0x34: {  	v4 =	vadd.s32 v1, v4;
	_ =	sdelay $0x3  }
0x35: {  	v3 =	vperm.xlane v3, v2  }
0x36: {  	[tilespmem:s9], [sflag:$0x1] =	stream.indirect_vreg.gather [hbm4b:s3+s2], $0x80, v4, vm0, $0xb8;
	[tilespmem:$0x18080] =	vst v63  }
0x37: {  	s6 =	rddreg [dreg:$0x4];
	v3 =	vadd.s32 v1, v3  }
0x38: {  	[tilespmem:s6], [sflag:$0x1] =	stream.indirect_vreg.gather [hbm4b:s4+s2], $0x80, v4, vm0, $0xb8;
	[tilespmem:$0x18080] =	vst v63  }
0x39: {  	s0 =	rddreg [dreg:$0x5]  }
0x3a: {  	[tilespmem:s0], [sflag:$0x1] =	stream.indirect_vreg.gather [hbm4b:s5+s2], $0x80, v4, vm0, $0xb8;
	[tilespmem:$0x18080] =	vst v63  }
0x3b: {  	s6 =	rddreg [dreg:$0x6]  }
0x3c: {  	[tilespmem:s6], [sflag:$0x1] =	stream.indirect_vreg.gather [hbm4b:s3+s2], $0x80, v3, vm0, $0xb8;
	[tilespmem:$0x18080] =	vst v63  }
0x3d: {  	s0 =	rddreg [dreg:$0x7]  }
0x3e: {  	[tilespmem:s0], [sflag:$0x1] =	stream.indirect_vreg.gather [hbm4b:s4+s2], $0x80, v3, vm0, $0xb8;
	[tilespmem:$0x18080] =	vst v63  }
0x3f: {  	s6 =	rddreg [dreg:$0x8]  }
0x40: {  	[tilespmem:s6], [sflag:$0x1] =	stream.indirect_vreg.gather [hbm4b:s5+s2], $0x80, v3, vm0, $0xb8;
	[tilespmem:$0x18080] =	vst v63  }
0x41: {  	v3 =	vld [tilespmem:$0x10];
	_ =	sdelay $0x4  }
0x42: {  	v57 =	vshrl.u32 v3, $0x3  }
0x43: {  	v4 =	vmul.u32 $0x30, v57  }
0x44: {  	v3 =	vand.u32 $0x7, v3  }
0x45: {  	v3 =	vor.u32 v3, v4  }
0x46: {  	v4 =	vperm.xlane v3, v0;
	_ =	sdelay $0x1  }
0x47: {  	v4 =	vadd.s32 v1, v4;
	_ =	sdelay $0x3  }
0x48: {  	s0 =	rddreg [dreg:$0x9];
	v3 =	vperm.xlane v3, v2  }
0x49: {  	[tilespmem:s0], [sflag:$0x1] =	stream.indirect_vreg.gather [hbm4b:s3+s2], $0x80, v4, vm0, $0xb8;
	[tilespmem:$0x18080] =	vst v63  }
0x4a: {  	s6 =	rddreg [dreg:$0xa];
	v3 =	vadd.s32 v1, v3  }
0x4b: {  	[tilespmem:s6], [sflag:$0x1] =	stream.indirect_vreg.gather [hbm4b:s4+s2], $0x80, v4, vm0, $0xb8;
	[tilespmem:$0x18080] =	vst v63  }
0x4c: {  	s0 =	rddreg [dreg:$0xb]  }
0x4d: {  	[tilespmem:s0], [sflag:$0x1] =	stream.indirect_vreg.gather [hbm4b:s5+s2], $0x80, v4, vm0, $0xb8;
	[tilespmem:$0x18080] =	vst v63  }
0x4e: {  	s6 =	rddreg [dreg:$0xc]  }
0x4f: {  	[tilespmem:s6], [sflag:$0x1] =	stream.indirect_vreg.gather [hbm4b:s3+s2], $0x80, v3, vm0, $0xb8;
	[tilespmem:$0x18080] =	vst v63  }
0x50: {  	s0 =	rddreg [dreg:$0xd]  }
0x51: {  	[tilespmem:s0], [sflag:$0x1] =	stream.indirect_vreg.gather [hbm4b:s4+s2], $0x80, v3, vm0, $0xb8;
	[tilespmem:$0x18080] =	vst v63  }
0x52: {  	s6 =	rddreg [dreg:$0xe]  }
0x53: {  	[tilespmem:s6], [sflag:$0x1] =	stream.indirect_vreg.gather [hbm4b:s5+s2], $0x80, v3, vm0, $0xb8;
	[tilespmem:$0x18080] =	vst v63  }
0x54: {  	v3 =	vld [tilespmem:$0x20];
	_ =	sdelay $0x4  }
0x55: {  	v58 =	vshrl.u32 v3, $0x3  }
0x56: {  	v4 =	vmul.u32 $0x30, v58  }
0x57: {  	v3 =	vand.u32 $0x7, v3  }
0x58: {  	v3 =	vor.u32 v3, v4  }
0x59: {  	v4 =	vperm.xlane v3, v0;
	_ =	sdelay $0x1  }
0x5a: {  	v4 =	vadd.s32 v1, v4;
	_ =	sdelay $0x3  }
0x5b: {  	s0 =	rddreg [dreg:$0xf];
	v3 =	vperm.xlane v3, v2  }
0x5c: {  	[tilespmem:s0], [sflag:$0x1] =	stream.indirect_vreg.gather [hbm4b:s3+s2], $0x80, v4, vm0, $0xb8;
	[tilespmem:$0x18080] =	vst v63  }
0x5d: {  	s6 =	rddreg [dreg:$0x10];
	v3 =	vadd.s32 v1, v3  }
0x5e: {  	[tilespmem:s6], [sflag:$0x1] =	stream.indirect_vreg.gather [hbm4b:s4+s2], $0x80, v4, vm0, $0xb8;
	[tilespmem:$0x18080] =	vst v63  }
0x5f: {  	s0 =	rddreg [dreg:$0x11]  }
0x60: {  	[tilespmem:s0], [sflag:$0x1] =	stream.indirect_vreg.gather [hbm4b:s5+s2], $0x80, v4, vm0, $0xb8;
	[tilespmem:$0x18080] =	vst v63  }
0x61: {  	s6 =	rddreg [dreg:$0x12]  }
0x62: {  	[tilespmem:s6], [sflag:$0x1] =	stream.indirect_vreg.gather [hbm4b:s3+s2], $0x80, v3, vm0, $0xb8;
	[tilespmem:$0x18080] =	vst v63  }
0x63: {  	s0 =	rddreg [dreg:$0x13]  }
0x64: {  	[tilespmem:s0], [sflag:$0x1] =	stream.indirect_vreg.gather [hbm4b:s4+s2], $0x80, v3, vm0, $0xb8;
	[tilespmem:$0x18080] =	vst v63  }
0x65: {  	s6 =	rddreg [dreg:$0x14]  }
0x66: {  	[tilespmem:s6], [sflag:$0x1] =	stream.indirect_vreg.gather [hbm4b:s5+s2], $0x80, v3, vm0, $0xb8;
	[tilespmem:$0x18080] =	vst v63  }
0x67: {  	v3 =	vld [tilespmem:$0x30];
	_ =	sdelay $0x4  }
0x68: {  	v59 =	vshrl.u32 v3, $0x3  }
0x69: {  	v4 =	vmul.u32 $0x30, v59  }
0x6a: {  	v3 =	vand.u32 $0x7, v3  }
0x6b: {  	v3 =	vor.u32 v3, v4  }
0x6c: {  	v4 =	vperm.xlane v3, v0;
	_ =	sdelay $0x1  }
0x6d: {  	v4 =	vadd.s32 v1, v4;
	_ =	sdelay $0x3  }
0x6e: {  	s0 =	rddreg [dreg:$0x15];
	v3 =	vperm.xlane v3, v2  }
0x6f: {  	[tilespmem:s0], [sflag:$0x1] =	stream.indirect_vreg.gather [hbm4b:s3+s2], $0x80, v4, vm0, $0xb8;
	[tilespmem:$0x18080] =	vst v63  }
0x70: {  	s6 =	rddreg [dreg:$0x16];
	v3 =	vadd.s32 v1, v3  }
0x71: {  	[tilespmem:s6], [sflag:$0x1] =	stream.indirect_vreg.gather [hbm4b:s4+s2], $0x80, v4, vm0, $0xb8;
	[tilespmem:$0x18080] =	vst v63  }
0x72: {  	s0 =	rddreg [dreg:$0x17]  }
0x73: {  	[tilespmem:s0], [sflag:$0x1] =	stream.indirect_vreg.gather [hbm4b:s5+s2], $0x80, v4, vm0, $0xb8;
	[tilespmem:$0x18080] =	vst v63  }
0x74: {  	s6 =	rddreg [dreg:$0x18]  }
0x75: {  	[tilespmem:s6], [sflag:$0x1] =	stream.indirect_vreg.gather [hbm4b:s3+s2], $0x80, v3, vm0, $0xb8;
	[tilespmem:$0x18080] =	vst v63  }
0x76: {  	s0 =	rddreg [dreg:$0x19]  }
0x77: {  	[tilespmem:s0], [sflag:$0x1] =	stream.indirect_vreg.gather [hbm4b:s4+s2], $0x80, v3, vm0, $0xb8;
	[tilespmem:$0x18080] =	vst v63  }
0x78: {  	s6 =	rddreg [dreg:$0x1a]  }
0x79: {  	[tilespmem:s6], [sflag:$0x1] =	stream.indirect_vreg.gather [hbm4b:s5+s2], $0x80, v3, vm0, $0xb8;
	[tilespmem:$0x18080] =	vst v63  }
0x7a: {  	v3 =	vld [tilespmem:$0x40];
	_ =	sdelay $0x4  }
0x7b: {  	v60 =	vshrl.u32 v3, $0x3  }
0x7c: {  	v4 =	vmul.u32 $0x30, v60  }
0x7d: {  	v3 =	vand.u32 $0x7, v3  }
0x7e: {  	v3 =	vor.u32 v3, v4  }
0x7f: {  	v4 =	vperm.xlane v3, v0;
	_ =	sdelay $0x1  }
0x80: {  	v4 =	vadd.s32 v1, v4;
	_ =	sdelay $0x3  }
0x81: {  	s0 =	rddreg [dreg:$0x1b];
	v3 =	vperm.xlane v3, v2  }
0x82: {  	[tilespmem:s0], [sflag:$0x1] =	stream.indirect_vreg.gather [hbm4b:s3+s2], $0x80, v4, vm0, $0xb8;
	[tilespmem:$0x18080] =	vst v63  }
0x83: {  	s6 =	rddreg [dreg:$0x1c];
	v3 =	vadd.s32 v1, v3  }
0x84: {  	[tilespmem:s6], [sflag:$0x1] =	stream.indirect_vreg.gather [hbm4b:s4+s2], $0x80, v4, vm0, $0xb8;
	[tilespmem:$0x18080] =	vst v63  }
0x85: {  	s0 =	rddreg [dreg:$0x1d]  }
0x86: {  	[tilespmem:s0], [sflag:$0x1] =	stream.indirect_vreg.gather [hbm4b:s5+s2], $0x80, v4, vm0, $0xb8;
	[tilespmem:$0x18080] =	vst v63  }
0x87: {  	s6 =	rddreg [dreg:$0x1e]  }
0x88: {  	[tilespmem:s6], [sflag:$0x1] =	stream.indirect_vreg.gather [hbm4b:s3+s2], $0x80, v3, vm0, $0xb8;
	[tilespmem:$0x18080] =	vst v63  }
0x89: {  	s0 =	rddreg [dreg:$0x1f]  }
0x8a: {  	[tilespmem:s0], [sflag:$0x1] =	stream.indirect_vreg.gather [hbm4b:s4+s2], $0x80, v3, vm0, $0xb8;
	[tilespmem:$0x18080] =	vst v63  }
0x8b: {  	_ = 	snop  }
0x8c: {  	[tilespmem:s10], [sflag:$0x1] =	stream.indirect_vreg.gather [hbm4b:s5+s2], $0x80, v3, vm0, $0xb8;
	[tilespmem:$0x18080] =	vst v63  }
0x8d: {  	v3 =	vld [tilespmem:$0x50];
	_ =	sdelay $0x4  }
0x8e: {  	v61 =	vshrl.u32 v3, $0x3  }
0x8f: {  	v4 =	vmul.u32 $0x30, v61  }
0x90: {  	v3 =	vand.u32 $0x7, v3  }
0x91: {  	v3 =	vor.u32 v3, v4  }
0x92: {  	v4 =	vperm.xlane v3, v0;
	_ =	sdelay $0x1  }
0x93: {  	v4 =	vadd.s32 v1, v4;
	_ =	sdelay $0x3  }
0x94: {  	v3 =	vperm.xlane v3, v2  }
0x95: {  	[tilespmem:s11], [sflag:$0x1] =	stream.indirect_vreg.gather [hbm4b:s3+s2], $0x80, v4, vm0, $0xb8;
	[tilespmem:$0x18080] =	vst v63  }
0x96: {  	v3 =	vadd.s32 v1, v3  }
0x97: {  	[tilespmem:s12], [sflag:$0x1] =	stream.indirect_vreg.gather [hbm4b:s4+s2], $0x80, v4, vm0, $0xb8;
	[tilespmem:$0x18080] =	vst v63  }
0x98: {  	_ = 	snop  }
0x99: {  	[tilespmem:s13], [sflag:$0x1] =	stream.indirect_vreg.gather [hbm4b:s5+s2], $0x80, v4, vm0, $0xb8;
	[tilespmem:$0x18080] =	vst v63  }
0x9a: {  	_ = 	snop  }
0x9b: {  	[tilespmem:s14], [sflag:$0x1] =	stream.indirect_vreg.gather [hbm4b:s3+s2], $0x80, v3, vm0, $0xb8;
	[tilespmem:$0x18080] =	vst v63  }
0x9c: {  	_ = 	snop  }
0x9d: {  	[tilespmem:s15], [sflag:$0x1] =	stream.indirect_vreg.gather [hbm4b:s4+s2], $0x80, v3, vm0, $0xb8;
	[tilespmem:$0x18080] =	vst v63  }
0x9e: {  	_ = 	snop  }
0x9f: {  	[tilespmem:s16], [sflag:$0x1] =	stream.indirect_vreg.gather [hbm4b:s5+s2], $0x80, v3, vm0, $0xb8;
	[tilespmem:$0x18080] =	vst v63  }
0xa0: {  	v3 =	vld [tilespmem:$0x60];
	_ =	sdelay $0x4  }
0xa1: {  	v62 =	vshrl.u32 v3, $0x3  }
0xa2: {  	v4 =	vmul.u32 $0x30, v62  }
0xa3: {  	v3 =	vand.u32 $0x7, v3  }
0xa4: {  	v3 =	vor.u32 v3, v4  }
0xa5: {  	v4 =	vperm.xlane v3, v0;
	_ =	sdelay $0x1  }
0xa6: {  	v4 =	vadd.s32 v1, v4;
	_ =	sdelay $0x3  }
0xa7: {  	v3 =	vperm.xlane v3, v2  }
0xa8: {  	[tilespmem:s17], [sflag:$0x1] =	stream.indirect_vreg.gather [hbm4b:s3+s2], $0x80, v4, vm0, $0xb8;
	[tilespmem:$0x18080] =	vst v63  }
0xa9: {  	v3 =	vadd.s32 v1, v3  }
0xaa: {  	[tilespmem:s18], [sflag:$0x1] =	stream.indirect_vreg.gather [hbm4b:s4+s2], $0x80, v4, vm0, $0xb8;
	[tilespmem:$0x18080] =	vst v63  }
0xab: {  	_ = 	snop  }
0xac: {  	[tilespmem:s19], [sflag:$0x1] =	stream.indirect_vreg.gather [hbm4b:s5+s2], $0x80, v4, vm0, $0xb8;
	[tilespmem:$0x18080] =	vst v63  }
0xad: {  	_ = 	snop  }
0xae: {  	[tilespmem:s20], [sflag:$0x1] =	stream.indirect_vreg.gather [hbm4b:s3+s2], $0x80, v3, vm0, $0xb8;
	[tilespmem:$0x18080] =	vst v63  }
0xaf: {  	_ = 	snop  }
0xb0: {  	[tilespmem:s21], [sflag:$0x1] =	stream.indirect_vreg.gather [hbm4b:s4+s2], $0x80, v3, vm0, $0xb8;
	[tilespmem:$0x18080] =	vst v63  }
0xb1: {  	_ = 	snop  }
0xb2: {  	[tilespmem:s22], [sflag:$0x1] =	stream.indirect_vreg.gather [hbm4b:s5+s2], $0x80, v3, vm0, $0xb8;
	[tilespmem:$0x18080] =	vst v63  }
0xb3: {  	v3 =	vld [tilespmem:$0x70];
	_ =	sdelay $0x4  }
0xb4: {  	v63 =	vshrl.u32 v3, $0x3  }
0xb5: {  	v4 =	vmul.u32 $0x30, v63  }
0xb6: {  	v3 =	vand.u32 $0x7, v3  }
0xb7: {  	v3 =	vor.u32 v3, v4  }
0xb8: {  	v4 =	vperm.xlane v3, v0;
	_ =	sdelay $0x1  }
0xb9: {  	v4 =	vadd.s32 v1, v4;
	_ =	sdelay $0x3  }
0xba: {  	v3 =	vperm.xlane v3, v2  }
0xbb: {  	[tilespmem:s23], [sflag:$0x1] =	stream.indirect_vreg.gather [hbm4b:s3+s2], $0x80, v4, vm0, $0xb8;
	[tilespmem:$0x18080] =	vst v63  }
0xbc: {  	v3 =	vadd.s32 v1, v3  }
0xbd: {  	[tilespmem:s24], [sflag:$0x1] =	stream.indirect_vreg.gather [hbm4b:s4+s2], $0x80, v4, vm0, $0xb8;
	[tilespmem:$0x18080] =	vst v63  }
0xbe: {  	_ = 	snop  }
0xbf: {  	[tilespmem:s25], [sflag:$0x1] =	stream.indirect_vreg.gather [hbm4b:s5+s2], $0x80, v4, vm0, $0xb8;
	[tilespmem:$0x18080] =	vst v63  }
0xc0: {  	_ = 	snop  }
0xc1: {  	[tilespmem:s26], [sflag:$0x1] =	stream.indirect_vreg.gather [hbm4b:s3+s2], $0x80, v3, vm0, $0xb8;
	[tilespmem:$0x18080] =	vst v63  }
0xc2: {  	_ = 	snop  }
0xc3: {  	[tilespmem:s28], [sflag:$0x1] =	stream.indirect_vreg.gather [hbm4b:s4+s2], $0x80, v3, vm0, $0xb8;
	[tilespmem:$0x18080] =	vst v63  }
0xc4: {  	_ = 	snop  }
0xc5: {  	[tilespmem:s29], [sflag:$0x1] =	stream.indirect_vreg.gather [hbm4b:s5+s2], $0x80, v3, vm0, $0xb8;
	[tilespmem:$0x18080] =	vst v63  }
0xc6: {  	_ =	swait.ge [sflag:s30], $0x18000  }
0xc7: {  	p0 =	sne.s32 s1, $0x30;
	[sflag:s30] =	ssyncset.done $0x0  }
.Ltmp0:
0xc8: {  	[sflag:s30] =	ssyncadd.s32 $0xFFFE8000;
	(pc) =	sbr.rel @p0 .LBB2_2-.Ltmp0, $4  }
0xc9: {  	[hbm4b:s7+s2] =	stream.linear.scatter [tilespmem:s9], [sflag:$0x2], $0x18000, $0x38;
	[tilespmem:$0x18080] =	vst v63  }
0xca: {  	_ =	swait.ge [sflag:s8], $0x18000  }
0xcb: {  	[sflag:s8] =	ssyncset.done $0x0  }
0xcc: {  	s1 =	sadd.s32 $0x10, s1;
	s7 =	sadd.s32 $0x3000, s7;
	[sflag:s8] =	ssyncadd.s32 $0xFFFE8000  }
0xcd: {  	s0 =	sld [smem:$0x7FC];
	_ =	sdelay $0x1  }
0xce: {  	s31 =	sadd.s32 $0x1, s31  }
0xcf: {  	p0 =	sne.s32 s31, s0  }
.Ltmp1:
0xd0: {  	_ = 	snop;
	(pc) =	sbr.rel @p0 .LBB2_1-.Ltmp1, $1  }
0xd1: {  	_ =	sdelay $0x3  }
0xd2: {  	_ =	sfence.sel $0x180000  }
0xd3: {  	[bflag:$0x0] =	sbarrier.arrive $0xFFFF  }
0xd4: {  	_ =	strace $0x9000004D  }
0xd5: {  	s0 =	stileid.u32;
	[bflag:$0x2] =	sbarrier.arrive $0xFFFF  }
0xd6: {  	p0 =	sne.s32 s0, $0x0;
	s0 =	rddreg [dreg:$0x2]  }
0xd7: {  	s0 =	sadd.s32 @!p0 $0x100000, s0  }
0xd8: {  	[sflag:s0] =	ssyncadd.tile.s32 @!p0 $0x1;
	_ =	shalt  }
.Lfunc_end2:
_tile_overlayer_lowered:
.L_overlay_start_2:
0xd9: {  	(tag) =	ssettag $0x2  }
0xda: {  	s0 =	rddreg [dreg:$0x0];
	s2 =	stileid.u32  }
0xdb: {  	s1 =	rddreg [dreg:$0x1];
	p0 =	sne.s32 s2, $0x0  }
0xdc: {  	s3 =	rddreg [dreg:$0x2];
	[bflag:$0x3] =	sbarrier.arrive $0xFFFF;
	s2 =	simm.s32 @!p0 $0x1C02  }
0xdd: {  	[timem:s3], [sflag:s2] =	dma.local @!p0 [hbm:s0], s1  }
0xde: {  	s0 =	simm.s32 @!p0 $0x2  }
0xdf: {  	_ =	swait.ge @!p0 [sflag:s0], s1  }
0xe0: {  	s1 =	ssub.s32 @!p0 $0x0, s1;
	[sflag:s0] =	ssyncset.done @!p0 $0x0  }
0xe1: {  	[sflag:s0] =	ssyncadd.s32 @!p0 s1  }
0xe2: {  	[bflag:$0x3] =	sbarrier.arrive $0xFFFF  }
0xe3: {  	_ =	shalt  }

// kernel: _moe.7.cloned.1.call-start
scs
__scs_entry_jumppad:
0x0: {  	(pc) =	sbr.rel $0x88, $3  }
0x1: {  	(tag) =	ssettag $0x0;
	lr =	simm.s32 $0x1  }
0x2: {  	[smem:$0x3F99] =	sst lr;
	_ =	strace $0xD0000000  }
0x3: {  	_ = 	snop  }
0x4: {  	_ = 	snop  }
0x5: {  	_ = 	snop  }
0x6: {  	_ = 	snop  }
0x7: {  	_ = 	snop  }
__scs_overlays_trampoline_lowered:
0x8: {  	[smem:$0x3FA8] =	sst s0  }
0x9: {  	[smem:$0x3FA9] =	sst s1  }
0xa: {  	[smem:$0x3FAA] =	sst s2  }
0xb: {  	[smem:$0x3FAB] =	sst s3  }
0xc: {  	[smem:$0x3FAC] =	sst s4  }
0xd: {  	[smem:$0x3FAD] =	sst s5  }
0xe: {  	[smem:$0x3FAE] =	sst s6  }
0xf: {  	[smem:$0x3FAF] =	sst s7  }
0x10: {  	[smem:$0x3FB0] =	sst s8  }
0x11: {  	[smem:$0x3FB1] =	sst s9;
	s0 =	simm.s32 @!p0 $0x0  }
0x12: {  	s1 =	sld [smem:$0x3F97];
	s0 =	simm.s32 @p0 $0x1  }
0x13: {  	[smem:$0x3FB2] =	sst s0;
	s0 =	simm.s32 @!p1 $0x0  }
0x14: {  	s2 =	sld [smem:$0x3F96];
	s0 =	simm.s32 @p1 $0x1  }
0x15: {  	[smem:$0x3FB3] =	sst s0;
	s0 =	simm.s32 @!p2 $0x0  }
0x16: {  	s3 =	sld [smem:$0x3FDB];
	s0 =	simm.s32 @p2 $0x1  }
0x17: {  	s4 =	simm.s32 $0x1BF5;
	[smem:$0x3FB5] =	sst s0  }
0x18: {  	s0 =	sld [smem:$0x3F98];
	_ =	swait.ge [sflag:s4], $0x0  }
0x19: {  	s7 =	sld [smem:$0x3F99]  }
0x1a: {  	s8 =	sadd.s32 $0xFFFFE003, lr  }
0x1b: {  	s9 =	sadd.s32 $0xFFFFFEF7, lr;
	s5 =	simm.s32 $0xFFFFFFFF;
	p2 =	slt.u32 s8, $0xFFFFF086  }
0x1c: {  	p1 =	slt.u32 s9, $0xF7A;
	s5 =	simm.s32 @!p2 $0x0  }
0x1d: {  	s5 =	simm.s32 @p1 $0x1;
	p0 =	seq.s32 s7, s2  }
0x1e: {  	s7 =	smul.u32 @!p0 $0xF7A, s2;
	p2 =	seq.s32 @!p0 s5, $0x0  }
0x1f: {  	s9 =	smul.u32 $0xF7A, s1;
	s8 =	simm.s32 @!p0 $0x1BF5;
	p2 =	por !p2, p0  }
0x20: {  	[sflag:s8] =	ssyncset.s32 @!p0 $0xFFFFF086;
	s6 =	sadd.s32 @!p0 s3, s7;
	s7 =	simm.s32 @!p0 $0x108  }
0x21: {  	s3 =	sadd.s32 s3, s9;
	s6 =	sadd.s32 @!p0 $0x88, s6;
	s7 =	simm.s32 @p2 $0x1082  }
0x22: {  	[simem:s7], [sflag:s8] =	dma.local @!p0 [hbm:s6], $0xF7A  }
0x23: {  	s9 =	sor.u32 $0xD0000000, s2;
	s6 =	simm.s32 $0x108;
	_ =	swait.ge @!p0 [sflag:s8], $0x0  }
0x24: {  	s3 =	sadd.s32 $0x88, s3;
	s6 =	simm.s32 @!p1 $0x1082;
	[sflag:s4] =	ssyncset.s32 $0xFFFFF086  }
0x25: {  	[simem:s6], [sflag:s4] =	dma.local [hbm:s3], $0xF7A  }
0x26: {  	[smem:$0x3F99] =	sst s1;
	(tag) =	ssettag s2;
	_ =	strace s9  }
0x27: {  	s1 =	sld [smem:$0x3FA9]  }
0x28: {  	s2 =	sld [smem:$0x3FAA]  }
0x29: {  	s4 =	sld [smem:$0x3FAC]  }
0x2a: {  	p0 =	seq.s32 s5, $0x0;
	s5 =	sld [smem:$0x3FAD]  }
0x2b: {  	s6 =	sld [smem:$0x3FAE]  }
0x2c: {  	s7 =	sld [smem:$0x3FAF]  }
0x2d: {  	s3 =	simm.s32 $0x108;
	s8 =	sld [smem:$0x3FB0]  }
0x2e: {  	s3 =	simm.s32 @!p0 $0x1082;
	s9 =	sld [smem:$0x3FB1]  }
0x2f: {  	lr =	sadd.s32 s0, s3;
	s0 =	sld [smem:$0x3FA8]  }
0x30: {  	s3 =	sld [smem:$0x3FAB]  }
0x31: {  	[smem:$0x3FB4] =	sst s10  }
0x32: {  	s10 =	sld [smem:$0x3FB2];
	_ =	sdelay $0x3  }
0x33: {  	p0 =	seq.s32 s10, $0x1;
	s10 =	sld [smem:$0x3FB4];
	_ =	sdelay $0x3  }
0x34: {  	[smem:$0x3FB4] =	sst s10  }
0x35: {  	s10 =	sld [smem:$0x3FB3];
	_ =	sdelay $0x3  }
0x36: {  	p1 =	seq.s32 s10, $0x1;
	s10 =	sld [smem:$0x3FB4];
	_ =	sdelay $0x3  }
0x37: {  	[smem:$0x3FB4] =	sst s10  }
0x38: {  	s10 =	sld [smem:$0x3FB5]  }
0x39: {  	_ = 	snop;
	(pc) =	sbr.ind lr, $3  }
0x3a: {  	_ = 	snop  }
0x3b: {  	_ = 	snop  }
0x3c: {  	p2 =	seq.s32 s10, $0x1;
	s10 =	sld [smem:$0x3FB4]  }
0x3d: {  	_ =	shalt  }
0x3e: {  	_ =	shalt  }
0x3f: {  	_ =	shalt  }
0x40: {  	_ =	shalt  }
0x41: {  	_ =	shalt  }
0x42: {  	_ =	shalt  }
0x43: {  	_ =	shalt  }
0x44: {  	_ =	shalt  }
0x45: {  	_ =	shalt  }
0x46: {  	_ =	shalt  }
0x47: {  	_ =	shalt  }
0x48: {  	_ =	shalt  }
0x49: {  	_ =	shalt  }
0x4a: {  	_ =	shalt  }
0x4b: {  	_ =	shalt  }
0x4c: {  	_ =	shalt  }
0x4d: {  	_ =	shalt  }
0x4e: {  	_ =	shalt  }
0x4f: {  	_ =	shalt  }
0x50: {  	_ =	shalt  }
0x51: {  	_ =	shalt  }
0x52: {  	_ =	shalt  }
0x53: {  	_ =	shalt  }
0x54: {  	_ =	shalt  }
0x55: {  	_ =	shalt  }
0x56: {  	_ =	shalt  }
0x57: {  	_ =	shalt  }
0x58: {  	_ =	shalt  }
0x59: {  	_ =	shalt  }
0x5a: {  	_ =	shalt  }
0x5b: {  	_ =	shalt  }
0x5c: {  	_ =	shalt  }
0x5d: {  	_ =	shalt  }
0x5e: {  	_ =	shalt  }
0x5f: {  	_ =	shalt  }
0x60: {  	_ =	shalt  }
0x61: {  	_ =	shalt  }
0x62: {  	_ =	shalt  }
0x63: {  	_ =	shalt  }
0x64: {  	_ =	shalt  }
0x65: {  	_ =	shalt  }
0x66: {  	_ =	shalt  }
0x67: {  	_ =	shalt  }
0x68: {  	_ =	shalt  }
0x69: {  	_ =	shalt  }
0x6a: {  	_ =	shalt  }
0x6b: {  	_ =	shalt  }
0x6c: {  	_ =	shalt  }
0x6d: {  	_ =	shalt  }
0x6e: {  	_ =	shalt  }
0x6f: {  	_ =	shalt  }
0x70: {  	_ =	shalt  }
0x71: {  	_ =	shalt  }
0x72: {  	_ =	shalt  }
0x73: {  	_ =	shalt  }
0x74: {  	_ =	shalt  }
0x75: {  	_ =	shalt  }
0x76: {  	_ =	shalt  }
0x77: {  	_ =	shalt  }
0x78: {  	_ =	shalt  }
0x79: {  	_ =	shalt  }
0x7a: {  	_ =	shalt  }
0x7b: {  	_ =	shalt  }
0x7c: {  	_ =	shalt  }
0x7d: {  	_ =	shalt  }
0x7e: {  	_ =	shalt  }
0x7f: {  	_ =	shalt  }
0x80: {  	_ =	shalt  }
0x81: {  	_ =	shalt  }
0x82: {  	_ =	shalt  }
0x83: {  	_ =	shalt  }
0x84: {  	_ =	shalt  }
0x85: {  	_ =	shalt  }
0x86: {  	_ =	shalt  }
0x87: {  	_ =	shalt  }
.Lfunc_end0:
.L_simem_size_0:
called_computation.1_lowered:
.L_overlay_start_0:
0x88: {  	s2 =	sld [smem:$0x3FD9]  }
0x89: {  	s3 =	sld [smem:$0x3FFE];
	_ =	sdelay $0x1  }
0x8a: {  	s1 =	srdreg.scid  }
0x8b: {  	s0 =	sand.u32 $0x1, s1  }
0x8c: {  	s17 =	sshll.u32 s0, $0xA;
	s2 =	sadd.s32 s3, s2  }
0x8d: {  	s2 =	sadd.s32 s2, s17  }
0x8e: {  	[smem:$0x3FC0] =	sst s2  }
0x8f: {  	_ = 	snop  }
0x90: {  	s2 =	sld [smem:$0x3FC9];
	(tm) =	ssettm $0x1  }
0x91: {  	s18 =	sld [smem:$0x3FFB];
	_ =	sdelay $0x3  }
0x92: {  	_ =	strace s18  }
0x93: {  	s3 =	sld [smem:$0x3FFC];
	_ =	sdelay $0x3  }
0x94: {  	_ =	strace s3  }
0x95: {  	s3 =	sld [smem:$0x3FFD];
	_ =	sdelay $0x3  }
0x96: {  	_ =	strace s3  }
0x97: {  	_ =	strace $0x8FFFFFFF  }
0x98: {  	s19 =	sld [smem:$0x3FDB];
	_ =	sdelay $0x1  }
0x99: {  	s4 =	simm.s32 $_scs_section_size  }
0x9a: {  	s5 =	simm.s32 $_size__tile_overlayer_lowered;
	s6 =	simm.s32 $_tile_overlayer_lowered  }
0x9b: {  	s22 =	simm.s32 $0x1BFF;
	s21 =	sshll.u32 s6, $0x1;
	s3 =	sadd.s32 s4, s19  }
0x9c: {  	s7 =	simm.s32 $0x0;
	s20 =	sshll.u32 s5, $0x1;
	s5 =	sadd.s32 s21, s3  }
0x9d: {  	[timem:s7], [sflag:s22] =	dma.local [hbm:s5], s20  }
0x9e: {  	_ =	swait.ge [sflag:s22], s20  }
0x9f: {  	s4 =	ssub.s32 $0x0, s20;
	[sflag:s22] =	ssyncset.done $0x0  }
0xa0: {  	[sflag:s22] =	ssyncadd.s32 s4;
	_ =	sdelay $0x1  }
0xa1: {  	s23 =	simm.s32 $0x1B8B  }
0xa2: {  	_ =	swait.ge [sflag:s23], $0x1  }
0xa3: {  	[sflag:s23] =	ssyncset.done $0x0  }
0xa4: {  	s25 =	simm.s32 $0x1B8E;
	s24 =	sld [smem:$0x3FFE];
	[sflag:s23] =	ssyncadd.s32 $0xFFFFFFFF  }
0xa5: {  	s26 =	simm.s32 $execute0_lowered;
	[smem:$0x3FD2] =	sst s25  }
0xa6: {  	s5 =	sshll.u32 s26, $0x1;
	_ =	strace $0x80000049;
	[dreg:$0x1] =	wrdreg $0xFFFFFFFF  }
0xa7: {  	s28 =	simm.s32 $_size_execute0_lowered;
	s3 =	sadd.s32 s3, s5;
	[dreg:$0x0] =	wrdreg $0x0  }
0xa8: {  	s5 =	sshll.u32 s28, $0x1;
	[dreg:$0x2] =	wrdreg s3  }
0xa9: {  	[dreg:$0x3] =	wrdreg s5  }
0xaa: {  	[dreg:$0x4] =	wrdreg $0xC0  }
0xab: {  	_ =	task [dreg:s7], $0x5FFFF  }
0xac: {  	[dreg:$0x1] =	wrdreg $0xFFFFFFFF  }
0xad: {  	[dreg:$0x0] =	wrdreg $0x60  }
0xae: {  	[dreg:$0x2] =	wrdreg s2  }
0xaf: {  	[dreg:$0x3] =	wrdreg s24  }
0xb0: {  	[dreg:$0x4] =	wrdreg $0x9  }
0xb1: {  	_ =	task.clear_ibuf [dreg:s7], $0x5FFFF;
	_ =	strace $0x90000049  }
0xb2: {  	s29 =	simm.s32 $0x9;
	_ =	strace $0x8000004B  }
0xb3: {  	_ =	swait.ge [sflag:s29], $0x1  }
0xb4: {  	[sflag:s29] =	ssyncadd.s32 $0xFFFFFFFF  }
0xb5: {  	_ =	strace $0x9000004B  }
0xb6: {  	_ =	sfence  }
0xb7: {  	s30 =	sld [smem:$0x0];
	_ =	sdelay $0x2  }
0xb8: {  	s31 =	sshll.u32 s1, $0xD;
	s1 =	sshrl.u32 s1, $0x2  }
0xb9: {  	s3 =	sand.u32 $0x4000, s31;
	s1 =	sadd.s32 s1, s30  }
0xba: {  	s0 =	sor.u32 s3, s0;
	s1 =	sshll.u32 s1, $0x11  }
0xbb: {  	s0 =	sor.u32 s1, s0  }
0xbc: {  	s0 =	sadd.s32 $0x8F2B, s0  }
0xbd: {  	[sflag:s0] =	ssyncadd.remote.s32 $0x1  }
0xbe: {  	_ =	sfence.sel $0xFFFF  }
0xbf: {  	[dreg:$0x0] =	wrdreg $0xFFFFFFFF;
	(pc) =	sbr.abs _section_cstart, $3  }
0xc0: {  	[dreg:$0x1] =	wrdreg $0xFFFFFFFF  }
0xc1: {  	_ =	task.clear_ibuf [dreg:s7], $0x2FFFF;
	_ =	strace $0x9FFFFFFF  }
0xc2: {  	(tm) =	ssettm $0x7FFFFFFF  }
0xc3: {  	_ =	shalt  }
tec
execute0_lowered:
.L_overlay_start_1:
0x0: {  	(tag) =	ssettag $0x1  }
0x1: {  	s0 =	srdreg.scid;
	s1 =	stileid.u32  }
0x2: {  	s0 =	sand.u32 $0x1, s0;
	s1 =	smul.u32 $0x500, s1  }
0x3: {  	s3 =	smul.u32 $0x280, s0  }
0x4: {  	s2 =	rddreg [dreg:$0x0]  }
0x5: {  	s4 =	rddreg [dreg:$0x1];
	s1 =	sadd.s32 s3, s1;
	s3 =	simm.s32 $0x0  }
0x6: {  	s20 =	simm.s32 $0x880;
	[smem:$0x7FF] =	sst s3  }
0x7: {  	s21 =	simm.s32 $0x1080;
	_ =	strace $0x8000004A;
	[dreg:$0x4] =	wrdreg s20  }
0x8: {  	s22 =	simm.s32 $0x1880;
	[dreg:$0x5] =	wrdreg s21  }
0x9: {  	s23 =	simm.s32 $0x2080;
	[dreg:$0x6] =	wrdreg s22  }
0xa: {  	s24 =	simm.s32 $0x2880;
	[dreg:$0x7] =	wrdreg s23  }
0xb: {  	s25 =	simm.s32 $0x3080;
	[dreg:$0x8] =	wrdreg s24  }
0xc: {  	s26 =	simm.s32 $0x3880;
	[dreg:$0x9] =	wrdreg s25  }
0xd: {  	s6 =	simm.s32 $0x4080;
	[dreg:$0xa] =	wrdreg s26  }
0xe: {  	s7 =	simm.s32 $0x4880;
	[dreg:$0xb] =	wrdreg s6  }
0xf: {  	s8 =	simm.s32 $0x5080;
	[dreg:$0xc] =	wrdreg s7  }
0x10: {  	s9 =	simm.s32 $0x5880;
	[dreg:$0xd] =	wrdreg s8  }
0x11: {  	s10 =	simm.s32 $0x6080;
	[dreg:$0xe] =	wrdreg s9  }
0x12: {  	s11 =	simm.s32 $0x6880;
	[dreg:$0xf] =	wrdreg s10  }
0x13: {  	s12 =	simm.s32 $0x7080;
	s13 =	simm.s32 $0x7880;
	[dreg:$0x10] =	wrdreg s11  }
0x14: {  	s14 =	simm.s32 $0x8080;
	s15 =	simm.s32 $0x8880;
	[dreg:$0x11] =	wrdreg s12  }
0x15: {  	s16 =	simm.s32 $0x9080;
	s17 =	simm.s32 $0x9880;
	[dreg:$0x12] =	wrdreg s13  }
0x16: {  	s18 =	simm.s32 $0xA080;
	s19 =	simm.s32 $0xA880;
	[dreg:$0x13] =	wrdreg s14  }
0x17: {  	s28 =	simm.s32 $0x17080;
	s29 =	simm.s32 $0x17880;
	[dreg:$0x14] =	wrdreg s15  }
0x18: {  	s30 =	simm.s32 $0x1;
	s31 =	simm.s32 $0x0;
	[dreg:$0x15] =	wrdreg s16  }
0x19: {  	s0 =	ssub.s32 $0x2, s0;
	s1 =	sshrl.u32 s1, $0x3;
	[dreg:$0x16] =	wrdreg s17  }
0x1a: {  	s5 =	sadd.s32 s1, s4;
	s1 =	smul.u32 $0x300, s1;
	[dreg:$0x17] =	wrdreg s18  }
0x1b: {  	[dreg:$0x18] =	wrdreg s19;
	s20 =	simm.s32 $0xB080;
	s21 =	sshrl.u32 s0, $0x1  }
0x1c: {  	s22 =	simm.s32 $0xB880;
	s23 =	simm.s32 $0xC080;
	s6 =	simm.s32 $0xC880  }
0x1d: {  	s7 =	simm.s32 $0xD080;
	s24 =	simm.s32 $0xD880;
	s26 =	simm.s32 $0xE080  }
0x1e: {  	s8 =	simm.s32 $0x2;
	s9 =	simm.s32 $0x80;
	[dreg:$0x19] =	wrdreg s20  }
0x1f: {  	s10 =	simm.s32 $0xE880;
	s11 =	simm.s32 $0xF080;
	[dreg:$0x1a] =	wrdreg s22  }
0x20: {  	s12 =	simm.s32 $0xF880;
	s13 =	simm.s32 $0x10080;
	[dreg:$0x1b] =	wrdreg s23  }
0x21: {  	s14 =	simm.s32 $0x10880;
	s15 =	simm.s32 $0x11080;
	[dreg:$0x1c] =	wrdreg s6  }
0x22: {  	s16 =	simm.s32 $0x11880;
	s17 =	simm.s32 $0x12080;
	[dreg:$0x1d] =	wrdreg s7  }
0x23: {  	s18 =	simm.s32 $0x12880;
	s19 =	simm.s32 $0x13080;
	[dreg:$0x1e] =	wrdreg s24  }
0x24: {  	s5 =	sadd.s32 $0xE0000, s5;
	s0 =	ssub.s32 s0, s21;
	[dreg:$0x1f] =	wrdreg s26  }
0x25: {  	s20 =	simm.s32 $0x13880;
	s21 =	simm.s32 $0x14080;
	s22 =	simm.s32 $0x14880  }
0x26: {  	s23 =	simm.s32 $0x15080;
	s24 =	simm.s32 $0x15880;
	s26 =	simm.s32 $0x16880  }
0x27: {  	v2 =	vlaneseq.u32;
	[dreg:$0x3] =	wrdreg s5;
	s1 =	sadd.s32 s1, s4;
	s0 =	smax.u32 s0, $0x1  }
0x28: {  	vm0 =	vmmov $0xffff;
	v1 =	vshrl.u32 v2, $0x3;
	s4 =	sadd.s32 $0x100, s2;
	[smem:$0x7FC] =	sst s0;
	s25 =	sadd.s32 $0xE9200, s1  }
0x29: {  	v0 =	vand.u32 $0x7, v2;
	v2 =	vor.u32 $0x8, v2;
	v1 =	vmul.u32 $0x8, v1;
	s5 =	sadd.s32 $0x200, s2;
	[smem:$0x7FD] =	sst s25;
	s25 =	simm.s32 $0x16080  }
.LBB2_1:
0x2a: {  	s1 =	simm.s32 $0x0;
	s7 =	sld [smem:$0x7FD]  }
.LBB2_2:
0x2b: {  	s6 =	rddreg [dreg:$0x3]  }
0x2c: {  	s6 =	sadd.s32 s1, s6  }
0x2d: {  	[tilespmem:s3], [sflag:$0x2] =	stream.linear.gather [hbm4b:s6+s3], $0x80, $0x38;
	[tilespmem:$0x18080] =	vst v63  }
0x2e: {  	_ =	swait.ge [sflag:s8], $0x80  }
0x2f: {  	[sflag:s8] =	ssyncset.done $0x0  }
0x30: {  	[sflag:s8] =	ssyncadd.s32 $0xFFFFFF80  }
0x31: {  	v3 =	vld [tilespmem:$0x0];
	_ =	sdelay $0x4  }
0x32: {  	v4 =	vshrl.u32 v3, $0x3  }
0x33: {  	v4 =	vmul.u32 $0x30, v4  }
0x34: {  	v3 =	vand.u32 $0x7, v3  }
0x35: {  	v3 =	vor.u32 v3, v4  }
0x36: {  	v4 =	vperm.xlane v3, v0;
	_ =	sdelay $0x1  }
0x37: {  	v4 =	vadd.s32 v1, v4;
	_ =	sdelay $0x3  }
0x38: {  	v3 =	vperm.xlane v3, v2  }
0x39: {  	[tilespmem:s9], [sflag:$0x1] =	stream.indirect_vreg.gather [hbm4b:s2+s3], $0x80, v4, vm0, $0xb8;
	[tilespmem:$0x18080] =	vst v63  }
0x3a: {  	s6 =	rddreg [dreg:$0x4];
	v3 =	vadd.s32 v1, v3  }
0x3b: {  	[tilespmem:s6], [sflag:$0x1] =	stream.indirect_vreg.gather [hbm4b:s4+s3], $0x80, v4, vm0, $0xb8;
	[tilespmem:$0x18080] =	vst v63  }
0x3c: {  	s0 =	rddreg [dreg:$0x5]  }
0x3d: {  	[tilespmem:s0], [sflag:$0x1] =	stream.indirect_vreg.gather [hbm4b:s5+s3], $0x80, v4, vm0, $0xb8;
	[tilespmem:$0x18080] =	vst v63  }
0x3e: {  	s6 =	rddreg [dreg:$0x6]  }
0x3f: {  	[tilespmem:s6], [sflag:$0x1] =	stream.indirect_vreg.gather [hbm4b:s2+s3], $0x80, v3, vm0, $0xb8;
	[tilespmem:$0x18080] =	vst v63  }
0x40: {  	s0 =	rddreg [dreg:$0x7]  }
0x41: {  	[tilespmem:s0], [sflag:$0x1] =	stream.indirect_vreg.gather [hbm4b:s4+s3], $0x80, v3, vm0, $0xb8;
	[tilespmem:$0x18080] =	vst v63  }
0x42: {  	s6 =	rddreg [dreg:$0x8]  }
0x43: {  	[tilespmem:s6], [sflag:$0x1] =	stream.indirect_vreg.gather [hbm4b:s5+s3], $0x80, v3, vm0, $0xb8;
	[tilespmem:$0x18080] =	vst v63  }
0x44: {  	v3 =	vld [tilespmem:$0x10];
	_ =	sdelay $0x4  }
0x45: {  	v57 =	vshrl.u32 v3, $0x3  }
0x46: {  	v4 =	vmul.u32 $0x30, v57  }
0x47: {  	v3 =	vand.u32 $0x7, v3  }
0x48: {  	v3 =	vor.u32 v3, v4  }
0x49: {  	v4 =	vperm.xlane v3, v0;
	_ =	sdelay $0x1  }
0x4a: {  	v4 =	vadd.s32 v1, v4;
	_ =	sdelay $0x3  }
0x4b: {  	s0 =	rddreg [dreg:$0x9];
	v3 =	vperm.xlane v3, v2  }
0x4c: {  	[tilespmem:s0], [sflag:$0x1] =	stream.indirect_vreg.gather [hbm4b:s2+s3], $0x80, v4, vm0, $0xb8;
	[tilespmem:$0x18080] =	vst v63  }
0x4d: {  	s6 =	rddreg [dreg:$0xa];
	v3 =	vadd.s32 v1, v3  }
0x4e: {  	[tilespmem:s6], [sflag:$0x1] =	stream.indirect_vreg.gather [hbm4b:s4+s3], $0x80, v4, vm0, $0xb8;
	[tilespmem:$0x18080] =	vst v63  }
0x4f: {  	s0 =	rddreg [dreg:$0xb]  }
0x50: {  	[tilespmem:s0], [sflag:$0x1] =	stream.indirect_vreg.gather [hbm4b:s5+s3], $0x80, v4, vm0, $0xb8;
	[tilespmem:$0x18080] =	vst v63  }
0x51: {  	s6 =	rddreg [dreg:$0xc]  }
0x52: {  	[tilespmem:s6], [sflag:$0x1] =	stream.indirect_vreg.gather [hbm4b:s2+s3], $0x80, v3, vm0, $0xb8;
	[tilespmem:$0x18080] =	vst v63  }
0x53: {  	s0 =	rddreg [dreg:$0xd]  }
0x54: {  	[tilespmem:s0], [sflag:$0x1] =	stream.indirect_vreg.gather [hbm4b:s4+s3], $0x80, v3, vm0, $0xb8;
	[tilespmem:$0x18080] =	vst v63  }
0x55: {  	s6 =	rddreg [dreg:$0xe]  }
0x56: {  	[tilespmem:s6], [sflag:$0x1] =	stream.indirect_vreg.gather [hbm4b:s5+s3], $0x80, v3, vm0, $0xb8;
	[tilespmem:$0x18080] =	vst v63  }
0x57: {  	v3 =	vld [tilespmem:$0x20];
	_ =	sdelay $0x4  }
0x58: {  	v58 =	vshrl.u32 v3, $0x3  }
0x59: {  	v4 =	vmul.u32 $0x30, v58  }
0x5a: {  	v3 =	vand.u32 $0x7, v3  }
0x5b: {  	v3 =	vor.u32 v3, v4  }
0x5c: {  	v4 =	vperm.xlane v3, v0;
	_ =	sdelay $0x1  }
0x5d: {  	v4 =	vadd.s32 v1, v4;
	_ =	sdelay $0x3  }
0x5e: {  	s0 =	rddreg [dreg:$0xf];
	v3 =	vperm.xlane v3, v2  }
0x5f: {  	[tilespmem:s0], [sflag:$0x1] =	stream.indirect_vreg.gather [hbm4b:s2+s3], $0x80, v4, vm0, $0xb8;
	[tilespmem:$0x18080] =	vst v63  }
0x60: {  	s6 =	rddreg [dreg:$0x10];
	v3 =	vadd.s32 v1, v3  }
0x61: {  	[tilespmem:s6], [sflag:$0x1] =	stream.indirect_vreg.gather [hbm4b:s4+s3], $0x80, v4, vm0, $0xb8;
	[tilespmem:$0x18080] =	vst v63  }
0x62: {  	s0 =	rddreg [dreg:$0x11]  }
0x63: {  	[tilespmem:s0], [sflag:$0x1] =	stream.indirect_vreg.gather [hbm4b:s5+s3], $0x80, v4, vm0, $0xb8;
	[tilespmem:$0x18080] =	vst v63  }
0x64: {  	s6 =	rddreg [dreg:$0x12]  }
0x65: {  	[tilespmem:s6], [sflag:$0x1] =	stream.indirect_vreg.gather [hbm4b:s2+s3], $0x80, v3, vm0, $0xb8;
	[tilespmem:$0x18080] =	vst v63  }
0x66: {  	s0 =	rddreg [dreg:$0x13]  }
0x67: {  	[tilespmem:s0], [sflag:$0x1] =	stream.indirect_vreg.gather [hbm4b:s4+s3], $0x80, v3, vm0, $0xb8;
	[tilespmem:$0x18080] =	vst v63  }
0x68: {  	s6 =	rddreg [dreg:$0x14]  }
0x69: {  	[tilespmem:s6], [sflag:$0x1] =	stream.indirect_vreg.gather [hbm4b:s5+s3], $0x80, v3, vm0, $0xb8;
	[tilespmem:$0x18080] =	vst v63  }
0x6a: {  	v3 =	vld [tilespmem:$0x30];
	_ =	sdelay $0x4  }
0x6b: {  	v59 =	vshrl.u32 v3, $0x3  }
0x6c: {  	v4 =	vmul.u32 $0x30, v59  }
0x6d: {  	v3 =	vand.u32 $0x7, v3  }
0x6e: {  	v3 =	vor.u32 v3, v4  }
0x6f: {  	v4 =	vperm.xlane v3, v0;
	_ =	sdelay $0x1  }
0x70: {  	v4 =	vadd.s32 v1, v4;
	_ =	sdelay $0x3  }
0x71: {  	s0 =	rddreg [dreg:$0x15];
	v3 =	vperm.xlane v3, v2  }
0x72: {  	[tilespmem:s0], [sflag:$0x1] =	stream.indirect_vreg.gather [hbm4b:s2+s3], $0x80, v4, vm0, $0xb8;
	[tilespmem:$0x18080] =	vst v63  }
0x73: {  	s6 =	rddreg [dreg:$0x16];
	v3 =	vadd.s32 v1, v3  }
0x74: {  	[tilespmem:s6], [sflag:$0x1] =	stream.indirect_vreg.gather [hbm4b:s4+s3], $0x80, v4, vm0, $0xb8;
	[tilespmem:$0x18080] =	vst v63  }
0x75: {  	s0 =	rddreg [dreg:$0x17]  }
0x76: {  	[tilespmem:s0], [sflag:$0x1] =	stream.indirect_vreg.gather [hbm4b:s5+s3], $0x80, v4, vm0, $0xb8;
	[tilespmem:$0x18080] =	vst v63  }
0x77: {  	s6 =	rddreg [dreg:$0x18]  }
0x78: {  	[tilespmem:s6], [sflag:$0x1] =	stream.indirect_vreg.gather [hbm4b:s2+s3], $0x80, v3, vm0, $0xb8;
	[tilespmem:$0x18080] =	vst v63  }
0x79: {  	s0 =	rddreg [dreg:$0x19]  }
0x7a: {  	[tilespmem:s0], [sflag:$0x1] =	stream.indirect_vreg.gather [hbm4b:s4+s3], $0x80, v3, vm0, $0xb8;
	[tilespmem:$0x18080] =	vst v63  }
0x7b: {  	s6 =	rddreg [dreg:$0x1a]  }
0x7c: {  	[tilespmem:s6], [sflag:$0x1] =	stream.indirect_vreg.gather [hbm4b:s5+s3], $0x80, v3, vm0, $0xb8;
	[tilespmem:$0x18080] =	vst v63  }
0x7d: {  	v3 =	vld [tilespmem:$0x40];
	_ =	sdelay $0x4  }
0x7e: {  	v60 =	vshrl.u32 v3, $0x3  }
0x7f: {  	v4 =	vmul.u32 $0x30, v60  }
0x80: {  	v3 =	vand.u32 $0x7, v3  }
0x81: {  	v3 =	vor.u32 v3, v4  }
0x82: {  	v4 =	vperm.xlane v3, v0;
	_ =	sdelay $0x1  }
0x83: {  	v4 =	vadd.s32 v1, v4;
	_ =	sdelay $0x3  }
0x84: {  	s0 =	rddreg [dreg:$0x1b];
	v3 =	vperm.xlane v3, v2  }
0x85: {  	[tilespmem:s0], [sflag:$0x1] =	stream.indirect_vreg.gather [hbm4b:s2+s3], $0x80, v4, vm0, $0xb8;
	[tilespmem:$0x18080] =	vst v63  }
0x86: {  	s6 =	rddreg [dreg:$0x1c];
	v3 =	vadd.s32 v1, v3  }
0x87: {  	[tilespmem:s6], [sflag:$0x1] =	stream.indirect_vreg.gather [hbm4b:s4+s3], $0x80, v4, vm0, $0xb8;
	[tilespmem:$0x18080] =	vst v63  }
0x88: {  	s0 =	rddreg [dreg:$0x1d]  }
0x89: {  	[tilespmem:s0], [sflag:$0x1] =	stream.indirect_vreg.gather [hbm4b:s5+s3], $0x80, v4, vm0, $0xb8;
	[tilespmem:$0x18080] =	vst v63  }
0x8a: {  	s6 =	rddreg [dreg:$0x1e]  }
0x8b: {  	[tilespmem:s6], [sflag:$0x1] =	stream.indirect_vreg.gather [hbm4b:s2+s3], $0x80, v3, vm0, $0xb8;
	[tilespmem:$0x18080] =	vst v63  }
0x8c: {  	s0 =	rddreg [dreg:$0x1f]  }
0x8d: {  	[tilespmem:s0], [sflag:$0x1] =	stream.indirect_vreg.gather [hbm4b:s4+s3], $0x80, v3, vm0, $0xb8;
	[tilespmem:$0x18080] =	vst v63  }
0x8e: {  	_ = 	snop  }
0x8f: {  	[tilespmem:s10], [sflag:$0x1] =	stream.indirect_vreg.gather [hbm4b:s5+s3], $0x80, v3, vm0, $0xb8;
	[tilespmem:$0x18080] =	vst v63  }
0x90: {  	v3 =	vld [tilespmem:$0x50];
	_ =	sdelay $0x4  }
0x91: {  	v61 =	vshrl.u32 v3, $0x3  }
0x92: {  	v4 =	vmul.u32 $0x30, v61  }
0x93: {  	v3 =	vand.u32 $0x7, v3  }
0x94: {  	v3 =	vor.u32 v3, v4  }
0x95: {  	v4 =	vperm.xlane v3, v0;
	_ =	sdelay $0x1  }
0x96: {  	v4 =	vadd.s32 v1, v4;
	_ =	sdelay $0x3  }
0x97: {  	v3 =	vperm.xlane v3, v2  }
0x98: {  	[tilespmem:s11], [sflag:$0x1] =	stream.indirect_vreg.gather [hbm4b:s2+s3], $0x80, v4, vm0, $0xb8;
	[tilespmem:$0x18080] =	vst v63  }
0x99: {  	v3 =	vadd.s32 v1, v3  }
0x9a: {  	[tilespmem:s12], [sflag:$0x1] =	stream.indirect_vreg.gather [hbm4b:s4+s3], $0x80, v4, vm0, $0xb8;
	[tilespmem:$0x18080] =	vst v63  }
0x9b: {  	_ = 	snop  }
0x9c: {  	[tilespmem:s13], [sflag:$0x1] =	stream.indirect_vreg.gather [hbm4b:s5+s3], $0x80, v4, vm0, $0xb8;
	[tilespmem:$0x18080] =	vst v63  }
0x9d: {  	_ = 	snop  }
0x9e: {  	[tilespmem:s14], [sflag:$0x1] =	stream.indirect_vreg.gather [hbm4b:s2+s3], $0x80, v3, vm0, $0xb8;
	[tilespmem:$0x18080] =	vst v63  }
0x9f: {  	_ = 	snop  }
0xa0: {  	[tilespmem:s15], [sflag:$0x1] =	stream.indirect_vreg.gather [hbm4b:s4+s3], $0x80, v3, vm0, $0xb8;
	[tilespmem:$0x18080] =	vst v63  }
0xa1: {  	_ = 	snop  }
0xa2: {  	[tilespmem:s16], [sflag:$0x1] =	stream.indirect_vreg.gather [hbm4b:s5+s3], $0x80, v3, vm0, $0xb8;
	[tilespmem:$0x18080] =	vst v63  }
0xa3: {  	v3 =	vld [tilespmem:$0x60];
	_ =	sdelay $0x4  }
0xa4: {  	v62 =	vshrl.u32 v3, $0x3  }
0xa5: {  	v4 =	vmul.u32 $0x30, v62  }
0xa6: {  	v3 =	vand.u32 $0x7, v3  }
0xa7: {  	v3 =	vor.u32 v3, v4  }
0xa8: {  	v4 =	vperm.xlane v3, v0;
	_ =	sdelay $0x1  }
0xa9: {  	v4 =	vadd.s32 v1, v4;
	_ =	sdelay $0x3  }
0xaa: {  	v3 =	vperm.xlane v3, v2  }
0xab: {  	[tilespmem:s17], [sflag:$0x1] =	stream.indirect_vreg.gather [hbm4b:s2+s3], $0x80, v4, vm0, $0xb8;
	[tilespmem:$0x18080] =	vst v63  }
0xac: {  	v3 =	vadd.s32 v1, v3  }
0xad: {  	[tilespmem:s18], [sflag:$0x1] =	stream.indirect_vreg.gather [hbm4b:s4+s3], $0x80, v4, vm0, $0xb8;
	[tilespmem:$0x18080] =	vst v63  }
0xae: {  	_ = 	snop  }
0xaf: {  	[tilespmem:s19], [sflag:$0x1] =	stream.indirect_vreg.gather [hbm4b:s5+s3], $0x80, v4, vm0, $0xb8;
	[tilespmem:$0x18080] =	vst v63  }
0xb0: {  	_ = 	snop  }
0xb1: {  	[tilespmem:s20], [sflag:$0x1] =	stream.indirect_vreg.gather [hbm4b:s2+s3], $0x80, v3, vm0, $0xb8;
	[tilespmem:$0x18080] =	vst v63  }
0xb2: {  	_ = 	snop  }
0xb3: {  	[tilespmem:s21], [sflag:$0x1] =	stream.indirect_vreg.gather [hbm4b:s4+s3], $0x80, v3, vm0, $0xb8;
	[tilespmem:$0x18080] =	vst v63  }
0xb4: {  	_ = 	snop  }
0xb5: {  	[tilespmem:s22], [sflag:$0x1] =	stream.indirect_vreg.gather [hbm4b:s5+s3], $0x80, v3, vm0, $0xb8;
	[tilespmem:$0x18080] =	vst v63  }
0xb6: {  	v3 =	vld [tilespmem:$0x70];
	_ =	sdelay $0x4  }
0xb7: {  	v63 =	vshrl.u32 v3, $0x3  }
0xb8: {  	v4 =	vmul.u32 $0x30, v63  }
0xb9: {  	v3 =	vand.u32 $0x7, v3  }
0xba: {  	v3 =	vor.u32 v3, v4  }
0xbb: {  	v4 =	vperm.xlane v3, v0;
	_ =	sdelay $0x1  }
0xbc: {  	v4 =	vadd.s32 v1, v4;
	_ =	sdelay $0x3  }
0xbd: {  	v3 =	vperm.xlane v3, v2  }
0xbe: {  	[tilespmem:s23], [sflag:$0x1] =	stream.indirect_vreg.gather [hbm4b:s2+s3], $0x80, v4, vm0, $0xb8;
	[tilespmem:$0x18080] =	vst v63  }
0xbf: {  	v3 =	vadd.s32 v1, v3  }
0xc0: {  	[tilespmem:s24], [sflag:$0x1] =	stream.indirect_vreg.gather [hbm4b:s4+s3], $0x80, v4, vm0, $0xb8;
	[tilespmem:$0x18080] =	vst v63  }
0xc1: {  	_ = 	snop  }
0xc2: {  	[tilespmem:s25], [sflag:$0x1] =	stream.indirect_vreg.gather [hbm4b:s5+s3], $0x80, v4, vm0, $0xb8;
	[tilespmem:$0x18080] =	vst v63  }
0xc3: {  	_ = 	snop  }
0xc4: {  	[tilespmem:s26], [sflag:$0x1] =	stream.indirect_vreg.gather [hbm4b:s2+s3], $0x80, v3, vm0, $0xb8;
	[tilespmem:$0x18080] =	vst v63  }
0xc5: {  	_ = 	snop  }
0xc6: {  	[tilespmem:s28], [sflag:$0x1] =	stream.indirect_vreg.gather [hbm4b:s4+s3], $0x80, v3, vm0, $0xb8;
	[tilespmem:$0x18080] =	vst v63  }
0xc7: {  	_ = 	snop  }
0xc8: {  	[tilespmem:s29], [sflag:$0x1] =	stream.indirect_vreg.gather [hbm4b:s5+s3], $0x80, v3, vm0, $0xb8;
	[tilespmem:$0x18080] =	vst v63  }
0xc9: {  	_ =	swait.ge [sflag:s30], $0x18000  }
0xca: {  	p0 =	sne.s32 s1, $0x40;
	[sflag:s30] =	ssyncset.done $0x0  }
.Ltmp0:
0xcb: {  	[sflag:s30] =	ssyncadd.s32 $0xFFFE8000;
	(pc) =	sbr.rel @p0 .LBB2_2-.Ltmp0, $4  }
0xcc: {  	[hbm4b:s7+s3] =	stream.linear.scatter [tilespmem:s9], [sflag:$0x2], $0x18000, $0x38;
	[tilespmem:$0x18080] =	vst v63  }
0xcd: {  	_ =	swait.ge [sflag:s8], $0x18000  }
0xce: {  	[sflag:s8] =	ssyncset.done $0x0  }
0xcf: {  	s1 =	sadd.s32 $0x10, s1;
	s7 =	sadd.s32 $0x3000, s7;
	[sflag:s8] =	ssyncadd.s32 $0xFFFE8000  }
0xd0: {  	s0 =	sld [smem:$0x7FC];
	_ =	sdelay $0x1  }
0xd1: {  	s31 =	sadd.s32 $0x1, s31  }
0xd2: {  	p0 =	sne.s32 s31, s0  }
.Ltmp1:
0xd3: {  	_ = 	snop;
	(pc) =	sbr.rel @p0 .LBB2_1-.Ltmp1, $1  }
0xd4: {  	_ =	sdelay $0x3  }
0xd5: {  	_ =	sfence.sel $0x180000  }
0xd6: {  	[bflag:$0x0] =	sbarrier.arrive $0xFFFF  }
0xd7: {  	_ =	strace $0x9000004A  }
0xd8: {  	s0 =	stileid.u32;
	[bflag:$0x2] =	sbarrier.arrive $0xFFFF  }
0xd9: {  	p0 =	sne.s32 s0, $0x0;
	s0 =	rddreg [dreg:$0x2]  }
0xda: {  	s0 =	sadd.s32 @!p0 $0x100000, s0  }
0xdb: {  	[sflag:s0] =	ssyncadd.tile.s32 @!p0 $0x1;
	_ =	shalt  }
.Lfunc_end2:
_tile_overlayer_lowered:
.L_overlay_start_2:
0xdc: {  	(tag) =	ssettag $0x2  }
0xdd: {  	s0 =	rddreg [dreg:$0x0];
	s2 =	stileid.u32  }
0xde: {  	s1 =	rddreg [dreg:$0x1];
	p0 =	sne.s32 s2, $0x0  }
0xdf: {  	s3 =	rddreg [dreg:$0x2];
	[bflag:$0x3] =	sbarrier.arrive $0xFFFF;
	s2 =	simm.s32 @!p0 $0x1C02  }
0xe0: {  	[timem:s3], [sflag:s2] =	dma.local @!p0 [hbm:s0], s1  }
0xe1: {  	s0 =	simm.s32 @!p0 $0x2  }
0xe2: {  	_ =	swait.ge @!p0 [sflag:s0], s1  }
0xe3: {  	s1 =	ssub.s32 @!p0 $0x0, s1;
	[sflag:s0] =	ssyncset.done @!p0 $0x0  }
0xe4: {  	[sflag:s0] =	ssyncadd.s32 @!p0 s1  }
0xe5: {  	[bflag:$0x3] =	sbarrier.arrive $0xFFFF  }
0xe6: {  	_ =	shalt  }

// kernel: gather_offload_async_start
scs
__scs_entry_jumppad:
0x0: {  	(pc) =	sbr.rel $0x88, $3  }
0x1: {  	(tag) =	ssettag $0x0;
	lr =	simm.s32 $0x1  }
0x2: {  	[smem:$0x3F99] =	sst lr;
	_ =	strace $0xD0000000  }
0x3: {  	_ = 	snop  }
0x4: {  	_ = 	snop  }
0x5: {  	_ = 	snop  }
0x6: {  	_ = 	snop  }
0x7: {  	_ = 	snop  }
__scs_overlays_trampoline_lowered:
0x8: {  	[smem:$0x3FA8] =	sst s0  }
0x9: {  	[smem:$0x3FA9] =	sst s1  }
0xa: {  	[smem:$0x3FAA] =	sst s2  }
0xb: {  	[smem:$0x3FAB] =	sst s3  }
0xc: {  	[smem:$0x3FAC] =	sst s4  }
0xd: {  	[smem:$0x3FAD] =	sst s5  }
0xe: {  	[smem:$0x3FAE] =	sst s6  }
0xf: {  	[smem:$0x3FAF] =	sst s7  }
0x10: {  	[smem:$0x3FB0] =	sst s8  }
0x11: {  	[smem:$0x3FB1] =	sst s9;
	s0 =	simm.s32 @!p0 $0x0  }
0x12: {  	s1 =	sld [smem:$0x3F97];
	s0 =	simm.s32 @p0 $0x1  }
0x13: {  	[smem:$0x3FB2] =	sst s0;
	s0 =	simm.s32 @!p1 $0x0  }
0x14: {  	s2 =	sld [smem:$0x3F96];
	s0 =	simm.s32 @p1 $0x1  }
0x15: {  	[smem:$0x3FB3] =	sst s0;
	s0 =	simm.s32 @!p2 $0x0  }
0x16: {  	s3 =	sld [smem:$0x3FDB];
	s0 =	simm.s32 @p2 $0x1  }
0x17: {  	s4 =	simm.s32 $0x1BF5;
	[smem:$0x3FB5] =	sst s0  }
0x18: {  	s0 =	sld [smem:$0x3F98];
	_ =	swait.ge [sflag:s4], $0x0  }
0x19: {  	s7 =	sld [smem:$0x3F99]  }
0x1a: {  	s8 =	sadd.s32 $0xFFFFE003, lr  }
0x1b: {  	s9 =	sadd.s32 $0xFFFFFEF7, lr;
	s5 =	simm.s32 $0xFFFFFFFF;
	p2 =	slt.u32 s8, $0xFFFFF086  }
0x1c: {  	p1 =	slt.u32 s9, $0xF7A;
	s5 =	simm.s32 @!p2 $0x0  }
0x1d: {  	s5 =	simm.s32 @p1 $0x1;
	p0 =	seq.s32 s7, s2  }
0x1e: {  	s7 =	smul.u32 @!p0 $0xF7A, s2;
	p2 =	seq.s32 @!p0 s5, $0x0  }
0x1f: {  	s9 =	smul.u32 $0xF7A, s1;
	s8 =	simm.s32 @!p0 $0x1BF5;
	p2 =	por !p2, p0  }
0x20: {  	[sflag:s8] =	ssyncset.s32 @!p0 $0xFFFFF086;
	s6 =	sadd.s32 @!p0 s3, s7;
	s7 =	simm.s32 @!p0 $0x108  }
0x21: {  	s3 =	sadd.s32 s3, s9;
	s6 =	sadd.s32 @!p0 $0x88, s6;
	s7 =	simm.s32 @p2 $0x1082  }
0x22: {  	[simem:s7], [sflag:s8] =	dma.local @!p0 [hbm:s6], $0xF7A  }
0x23: {  	s9 =	sor.u32 $0xD0000000, s2;
	s6 =	simm.s32 $0x108;
	_ =	swait.ge @!p0 [sflag:s8], $0x0  }
0x24: {  	s3 =	sadd.s32 $0x88, s3;
	s6 =	simm.s32 @!p1 $0x1082;
	[sflag:s4] =	ssyncset.s32 $0xFFFFF086  }
0x25: {  	[simem:s6], [sflag:s4] =	dma.local [hbm:s3], $0xF7A  }
0x26: {  	[smem:$0x3F99] =	sst s1;
	(tag) =	ssettag s2;
	_ =	strace s9  }
0x27: {  	s1 =	sld [smem:$0x3FA9]  }
0x28: {  	s2 =	sld [smem:$0x3FAA]  }
0x29: {  	s4 =	sld [smem:$0x3FAC]  }
0x2a: {  	p0 =	seq.s32 s5, $0x0;
	s5 =	sld [smem:$0x3FAD]  }
0x2b: {  	s6 =	sld [smem:$0x3FAE]  }
0x2c: {  	s7 =	sld [smem:$0x3FAF]  }
0x2d: {  	s3 =	simm.s32 $0x108;
	s8 =	sld [smem:$0x3FB0]  }
0x2e: {  	s3 =	simm.s32 @!p0 $0x1082;
	s9 =	sld [smem:$0x3FB1]  }
0x2f: {  	lr =	sadd.s32 s0, s3;
	s0 =	sld [smem:$0x3FA8]  }
0x30: {  	s3 =	sld [smem:$0x3FAB]  }
0x31: {  	[smem:$0x3FB4] =	sst s10  }
0x32: {  	s10 =	sld [smem:$0x3FB2];
	_ =	sdelay $0x3  }
0x33: {  	p0 =	seq.s32 s10, $0x1;
	s10 =	sld [smem:$0x3FB4];
	_ =	sdelay $0x3  }
0x34: {  	[smem:$0x3FB4] =	sst s10  }
0x35: {  	s10 =	sld [smem:$0x3FB3];
	_ =	sdelay $0x3  }
0x36: {  	p1 =	seq.s32 s10, $0x1;
	s10 =	sld [smem:$0x3FB4];
	_ =	sdelay $0x3  }
0x37: {  	[smem:$0x3FB4] =	sst s10  }
0x38: {  	s10 =	sld [smem:$0x3FB5]  }
0x39: {  	_ = 	snop;
	(pc) =	sbr.ind lr, $3  }
0x3a: {  	_ = 	snop  }
0x3b: {  	_ = 	snop  }
0x3c: {  	p2 =	seq.s32 s10, $0x1;
	s10 =	sld [smem:$0x3FB4]  }
0x3d: {  	_ =	shalt  }
0x3e: {  	_ =	shalt  }
0x3f: {  	_ =	shalt  }
0x40: {  	_ =	shalt  }
0x41: {  	_ =	shalt  }
0x42: {  	_ =	shalt  }
0x43: {  	_ =	shalt  }
0x44: {  	_ =	shalt  }
0x45: {  	_ =	shalt  }
0x46: {  	_ =	shalt  }
0x47: {  	_ =	shalt  }
0x48: {  	_ =	shalt  }
0x49: {  	_ =	shalt  }
0x4a: {  	_ =	shalt  }
0x4b: {  	_ =	shalt  }
0x4c: {  	_ =	shalt  }
0x4d: {  	_ =	shalt  }
0x4e: {  	_ =	shalt  }
0x4f: {  	_ =	shalt  }
0x50: {  	_ =	shalt  }
0x51: {  	_ =	shalt  }
0x52: {  	_ =	shalt  }
0x53: {  	_ =	shalt  }
0x54: {  	_ =	shalt  }
0x55: {  	_ =	shalt  }
0x56: {  	_ =	shalt  }
0x57: {  	_ =	shalt  }
0x58: {  	_ =	shalt  }
0x59: {  	_ =	shalt  }
0x5a: {  	_ =	shalt  }
0x5b: {  	_ =	shalt  }
0x5c: {  	_ =	shalt  }
0x5d: {  	_ =	shalt  }
0x5e: {  	_ =	shalt  }
0x5f: {  	_ =	shalt  }
0x60: {  	_ =	shalt  }
0x61: {  	_ =	shalt  }
0x62: {  	_ =	shalt  }
0x63: {  	_ =	shalt  }
0x64: {  	_ =	shalt  }
0x65: {  	_ =	shalt  }
0x66: {  	_ =	shalt  }
0x67: {  	_ =	shalt  }
0x68: {  	_ =	shalt  }
0x69: {  	_ =	shalt  }
0x6a: {  	_ =	shalt  }
0x6b: {  	_ =	shalt  }
0x6c: {  	_ =	shalt  }
0x6d: {  	_ =	shalt  }
0x6e: {  	_ =	shalt  }
0x6f: {  	_ =	shalt  }
0x70: {  	_ =	shalt  }
0x71: {  	_ =	shalt  }
0x72: {  	_ =	shalt  }
0x73: {  	_ =	shalt  }
0x74: {  	_ =	shalt  }
0x75: {  	_ =	shalt  }
0x76: {  	_ =	shalt  }
0x77: {  	_ =	shalt  }
0x78: {  	_ =	shalt  }
0x79: {  	_ =	shalt  }
0x7a: {  	_ =	shalt  }
0x7b: {  	_ =	shalt  }
0x7c: {  	_ =	shalt  }
0x7d: {  	_ =	shalt  }
0x7e: {  	_ =	shalt  }
0x7f: {  	_ =	shalt  }
0x80: {  	_ =	shalt  }
0x81: {  	_ =	shalt  }
0x82: {  	_ =	shalt  }
0x83: {  	_ =	shalt  }
0x84: {  	_ =	shalt  }
0x85: {  	_ =	shalt  }
0x86: {  	_ =	shalt  }
0x87: {  	_ =	shalt  }
.Lfunc_end0:
.L_simem_size_0:
called_computation_lowered:
.L_overlay_start_0:
0x88: {  	s2 =	sld [smem:$0x3FD9]  }
0x89: {  	s3 =	sld [smem:$0x3FFE];
	_ =	sdelay $0x1  }
0x8a: {  	s1 =	srdreg.scid  }
0x8b: {  	s0 =	sand.u32 $0x1, s1  }
0x8c: {  	s16 =	sshll.u32 s0, $0xA;
	s2 =	sadd.s32 s3, s2  }
0x8d: {  	s2 =	sadd.s32 s2, s16  }
0x8e: {  	[smem:$0x3FC0] =	sst s2  }
0x8f: {  	_ = 	snop  }
0x90: {  	(tm) =	ssettm $0x1  }
0x91: {  	s17 =	sld [smem:$0x3FFB];
	_ =	sdelay $0x3  }
0x92: {  	_ =	strace s17  }
0x93: {  	s2 =	sld [smem:$0x3FFC];
	_ =	sdelay $0x3  }
0x94: {  	_ =	strace s2  }
0x95: {  	s2 =	sld [smem:$0x3FFD];
	_ =	sdelay $0x3  }
0x96: {  	_ =	strace s2  }
0x97: {  	_ =	strace $0x8FFFFFFF  }
0x98: {  	s18 =	sld [smem:$0x3FDB];
	_ =	sdelay $0x1  }
0x99: {  	s19 =	simm.s32 $_scs_section_size  }
0x9a: {  	s4 =	simm.s32 $_size__tile_overlayer_lowered;
	s5 =	simm.s32 $_tile_overlayer_lowered  }
0x9b: {  	s22 =	simm.s32 $0x1BFF;
	s21 =	sshll.u32 s5, $0x1;
	s2 =	sadd.s32 s19, s18  }
0x9c: {  	s6 =	simm.s32 $0x0;
	s20 =	sshll.u32 s4, $0x1;
	s4 =	sadd.s32 s21, s2  }
0x9d: {  	[timem:s6], [sflag:s22] =	dma.local [hbm:s4], s20  }
0x9e: {  	_ =	swait.ge [sflag:s22], s20  }
0x9f: {  	s3 =	ssub.s32 $0x0, s20;
	[sflag:s22] =	ssyncset.done $0x0  }
0xa0: {  	[sflag:s22] =	ssyncadd.s32 s3;
	_ =	sdelay $0x1  }
0xa1: {  	s23 =	simm.s32 $0x1B8B  }
0xa2: {  	_ =	swait.ge [sflag:s23], $0x1  }
0xa3: {  	[sflag:s23] =	ssyncset.done $0x0  }
0xa4: {  	s25 =	simm.s32 $0x1B8E;
	s24 =	sld [smem:$0x3FFE];
	[sflag:s23] =	ssyncadd.s32 $0xFFFFFFFF  }
0xa5: {  	s26 =	simm.s32 $execute0_lowered;
	[smem:$0x3FD2] =	sst s25  }
0xa6: {  	s4 =	sshll.u32 s26, $0x1;
	_ =	strace $0x80000046;
	[dreg:$0x1] =	wrdreg $0xFFFFFFFF  }
0xa7: {  	s28 =	simm.s32 $_size_execute0_lowered;
	s2 =	sadd.s32 s2, s4;
	[dreg:$0x0] =	wrdreg $0x0  }
0xa8: {  	s4 =	sshll.u32 s28, $0x1;
	[dreg:$0x2] =	wrdreg s2  }
0xa9: {  	[dreg:$0x3] =	wrdreg s4  }
0xaa: {  	[dreg:$0x4] =	wrdreg $0xC0  }
0xab: {  	_ =	task [dreg:s6], $0x5FFFF  }
0xac: {  	[dreg:$0x1] =	wrdreg $0xFFFFFFFF  }
0xad: {  	[dreg:$0x0] =	wrdreg $0x60  }
0xae: {  	[dreg:$0x2] =	wrdreg s24  }
0xaf: {  	[dreg:$0x3] =	wrdreg $0x9  }
0xb0: {  	_ =	task.clear_ibuf [dreg:s6], $0x4FFFF;
	_ =	strace $0x90000046  }
0xb1: {  	s29 =	simm.s32 $0x9;
	_ =	strace $0x80000048  }
0xb2: {  	_ =	swait.ge [sflag:s29], $0x1  }
0xb3: {  	[sflag:s29] =	ssyncadd.s32 $0xFFFFFFFF  }
0xb4: {  	_ =	strace $0x90000048  }
0xb5: {  	_ =	sfence  }
0xb6: {  	s30 =	sld [smem:$0x0];
	_ =	sdelay $0x2  }
0xb7: {  	s31 =	sshll.u32 s1, $0xD;
	s1 =	sshrl.u32 s1, $0x2  }
0xb8: {  	s3 =	sand.u32 $0x4000, s31;
	s1 =	sadd.s32 s1, s30  }
0xb9: {  	s0 =	sor.u32 s3, s0;
	s1 =	sshll.u32 s1, $0x11  }
0xba: {  	s0 =	sor.u32 s1, s0  }
0xbb: {  	s0 =	sadd.s32 $0x8F2B, s0  }
0xbc: {  	[sflag:s0] =	ssyncadd.remote.s32 $0x1  }
0xbd: {  	_ =	sfence.sel $0xFFFF  }
0xbe: {  	[dreg:$0x0] =	wrdreg $0xFFFFFFFF;
	(pc) =	sbr.abs _section_cstart, $3  }
0xbf: {  	[dreg:$0x1] =	wrdreg $0xFFFFFFFF  }
0xc0: {  	_ =	task.clear_ibuf [dreg:s6], $0x2FFFF;
	_ =	strace $0x9FFFFFFF  }
0xc1: {  	(tm) =	ssettm $0x7FFFFFFF  }
tec
execute0_lowered:
.L_overlay_start_1:
0x0: {  	(tag) =	ssettag $0x1  }
0x1: {  	s0 =	srdreg.scid;
	s5 =	rddreg [dreg:$0x0]  }
0x2: {  	s1 =	stileid.u32;
	s6 =	simm.s32 $0x1;
	s9 =	simm.s32 $0x1  }
0x3: {  	s10 =	simm.s32 $0x3;
	s13 =	simm.s32 $0x0;
	s2 =	sshll.u32 s0, $0x8  }
0x4: {  	s12 =	simm.s32 $0x0;
	s3 =	sshll.u32 s1, $0x9;
	s2 =	sand.u32 $0x100, s2  }
0x5: {  	s0 =	rddreg [dreg:$0x1];
	_ =	strace $0x80000047;
	s2 =	sor.u32 s3, s2  }
0x6: {  	s4 =	sadd.s32 $0xE0000, s5;
	[sflag:s6] =	ssyncpa.u1 $0x0;
	s8 =	ssub.s32 $0x4000, s2  }
.Ltmp0:
0x7: {  	s3 =	sadd.s32 $0xE0800, s5;
	s7 =	sand.u32 $0x1F00, s8;
	(pc) =	sbr.rel .LBB2_1-.Ltmp0, $4  }
0x8: {  	s5 =	sadd.s32 $0xE8A00, s5;
	s11 =	smov.u32 s2;
	p0 =	sne.s32 s7, $0x0  }
0x9: {  	s8 =	sshrl.u32 s8, $0xD;
	s7 =	simm.s32 $0x2;
	s9 =	simm.s32 @!p0 $0x0  }
0xa: {  	[sflag:s7] =	ssyncpa.u1 $0x0;
	p0 =	por $0x0, $0x0;
	s8 =	sadd.s32 s9, s8  }
0xb: {  	vm0 =	vmmov $0xffff;
	[sflag:s10] =	ssyncpa.u1 $0x0;
	s10 =	simm.s32 $0x0;
	s9 =	sadd.s32 $0x1, s8  }
.LBB2_4:
0xc: {  	vm1 =	veq.s32 v0, $0x80000000;
	v63 =	vand.u32 $0x3FFF, v0;
	v2 =	vand.u32 $0xF, v2  }
0xd: {  	v0 =	vsel vm1, $0xFFFFFFFF, v63;
	v2 =	vsel vm1, $0xFFFFFFFF, v2  }
0xe: {  	v3 =	vshll.u32 v2, $0xE;
	v4 =	vshll.u32 v0, $0x3  }
0xf: {  	v2 =	vshll.u32 v2, $0x7;
	v3 =	vand.u32 $0xFFFE0000, v3;
	v4 =	vand.u32 $0xFFFFFC00, v4  }
0x10: {  	v2 =	vand.u32 $0x380, v2;
	v3 =	vadd.s32 v4, v3  }
0x11: {  	v0 =	vand.u32 $0x7F, v0;
	v2 =	vor.u32 v2, v3  }
0x12: {  	v0 =	vor.u32 v0, v2;
	_ =	sdelay $0x1  }
0x13: {  	(ifvalue) =	ssetifvalue $0x7FFFFFFF;
	s14 =	sadd.s32 $0x10, s14  }
0x14: {  	[tilespmem:s14], [sflag:$0x1] =	stream.indirect_vreg.gather [hbm4b:s3+s10], $0x1, v1, vm0, $0x4038;
	[tilespmem:$0x400] =	vst v63  }
0x15: {  	(ifvalue) =	ssetifvalue $0x7FFFFFFF;
	s14 =	sadd.s32 $0x10, s14  }
0x16: {  	[tilespmem:s14], [sflag:$0x1] =	stream.indirect_vreg.gather [hbm4b:s3+s10], $0x1, v0, vm0, $0x4038;
	[tilespmem:$0x400] =	vst v63  }
0x17: {  	_ =	swait.ge [sflag:s6], $0x100  }
0x18: {  	s30 =	sshrl.u32 s13, $0x3;
	[sflag:s6] =	ssyncset.done $0x0  }
0x19: {  	s31 =	sand.u32 $0x7, s13;
	s14 =	sadd.s32 s5, s30;
	[sflag:s6] =	ssyncadd.s32 $0xFFFFFF00  }
0x1a: {  	[hbm4b:s14+s31] =	stream.linear.scatter [tilespmem:s15], [sflag:$0x3], $0x100, $0x38;
	[tilespmem:$0x400] =	vst v63  }
.LBB2_5:
0x1b: {  	s15 =	sadd.s32 $0x2000, s11  }
0x1c: {  	p2 =	sgt.s32 s15, $0x3FFF  }
0x1d: {  	s15 =	smov.u32 @p2 s2;
	p2 =	sne.s32 s12, s9  }
.Ltmp1:
0x1e: {  	p1 =	slt.u32 s12, $0x2;
	(pc) =	sbr.rel @!p2 .LBB2_6-.Ltmp1, $4  }
0x1f: {  	s14 =	simm.s32 @!p1 $0x3  }
0x20: {  	s16 =	sadd.s32 $0x1, s12;
	_ =	swait.ge @!p1 [sflag:s14], $0x100  }
0x21: {  	s13 =	smov.u32 s11;
	p0 =	por !p0, !p0;
	[sflag:s14] =	ssyncset.done @!p1 $0x0  }
0x22: {  	s12 =	smov.u32 s16;
	s11 =	smov.u32 s15;
	[sflag:s14] =	ssyncadd.s32 @!p1 $0xFFFFFF00  }
.LBB2_1:
0x23: {  	p1 =	sge.u32 s12, s8  }
0x24: {  	s14 =	sxor.u32 @!p1 $0xFFFFFFFF, s12  }
0x25: {  	s31 =	sadd.s32 $0xFFFFFFFF, s12;
	s15 =	sshrl.u32 @!p1 s11, $0x3;
	s14 =	sshll.u32 @!p1 s14, $0x8  }
0x26: {  	s16 =	sand.u32 @!p1 $0x7, s11;
	s15 =	sadd.s32 @!p1 s4, s15;
	s14 =	sand.u32 @!p1 $0x100, s14  }
0x27: {  	[tilespmem:s14], [sflag:$0x2] =	stream.linear.gather @!p1 [hbm4b:s15+s16], $0x100, $0x38;
	[tilespmem:$0x400] =	vst v63  }
0x28: {  	p1 =	sge.u32 s31, s8  }
.Ltmp2:
0x29: {  	_ = 	snop;
	(pc) =	sbr.rel @p1 .LBB2_5-.Ltmp2, $1  }
0x2a: {  	_ =	sdelay $0x3  }
0x2b: {  	s14 =	simm.s32 $0x1  }
0x2c: {  	_ =	swait.ge [sflag:s7], $0x100;
	s14 =	simm.s32 @!p0 $0x0  }
0x2d: {  	[sflag:s7] =	ssyncset.done $0x0;
	s14 =	sshll.u32 s14, $0x8  }
0x2e: {  	[sflag:s7] =	ssyncadd.s32 $0xFFFFFF00;
	(ifvalue) =	ssetifvalue $0x7FFFFFFF;
	v0 =	vld.msk [tilespmem:s14+$0x0 ss:$0x1], $0xffff;
	_ =	sdelay $0x4  }
0x2f: {  	s15 =	sadd.s32 $0x10, s14;
	v1 =	vshrl.u32 v0, $0xE  }
0x30: {  	v2 =	vld.msk [tilespmem:s15+$0x0 ss:$0x1], $0xffff;
	vm1 =	veq.s32 v0, $0x80000000;
	v0 =	vand.u32 $0x3FFF, v0;
	v1 =	vand.u32 $0xF, v1  }
0x31: {  	v0 =	vsel vm1, $0xFFFFFFFF, v0;
	v1 =	vsel vm1, $0xFFFFFFFF, v1  }
0x32: {  	v4 =	vshll.u32 v0, $0x3;
	v3 =	vshll.u32 v1, $0xE  }
0x33: {  	v4 =	vand.u32 $0xFFFFFC00, v4;
	v1 =	vshll.u32 v1, $0x7;
	v3 =	vand.u32 $0xFFFE0000, v3  }
0x34: {  	v0 =	vand.u32 $0x7F, v0;
	v1 =	vand.u32 $0x380, v1;
	v3 =	vadd.s32 v4, v3  }
0x35: {  	vm1 =	veq.s32 v2, $0x80000000;
	v1 =	vor.u32 v1, v3;
	v3 =	vshrl.u32 v2, $0xE  }
0x36: {  	s17 =	sadd.s32 $0x10, s15;
	v2 =	vand.u32 $0x3FFF, v2;
	v1 =	vor.u32 v0, v1;
	v3 =	vand.u32 $0xF, v3  }
0x37: {  	v0 =	vld.msk [tilespmem:s17+$0x0 ss:$0x1], $0xffff;
	v2 =	vsel vm1, $0xFFFFFFFF, v2;
	v3 =	vsel vm1, $0xFFFFFFFF, v3  }
0x38: {  	v5 =	vshll.u32 v2, $0x3;
	v63 =	vshll.u32 v3, $0xE  }
0x39: {  	s31 =	sshll.u32 s12, $0x8;
	v5 =	vand.u32 $0xFFFFFC00, v5;
	v3 =	vshll.u32 v3, $0x7;
	v4 =	vand.u32 $0xFFFE0000, v63  }
0x3a: {  	s14 =	sor.u32 $0x200, s14;
	s15 =	sand.u32 $0x100, s31;
	(ifvalue) =	ssetifvalue $0x7FFFFFFF;
	v3 =	vand.u32 $0x380, v3;
	v4 =	vadd.s32 v5, v4  }
0x3b: {  	[tilespmem:s14], [sflag:$0x1] =	stream.indirect_vreg.gather [hbm4b:s3+s10], $0x1, v1, vm0, $0x4038;
	v1 =	vand.u32 $0x7F, v2;
	v3 =	vor.u32 v3, v4;
	[tilespmem:$0x400] =	vst v63  }
0x3c: {  	s16 =	simm.s32 $0x20;
	s15 =	sor.u32 $0x200, s15;
	s17 =	sadd.s32 $0x10, s17;
	v2 =	vshrl.u32 v0, $0xE;
	v1 =	vor.u32 v1, v3  }
.LBB2_3:
0x3d: {  	s16 =	sadd.s32 $0x10, s16;
	vm1 =	veq.s32 v0, $0x80000000;
	v3 =	vand.u32 $0x3FFF, v0;
	v0 =	vld.msk [tilespmem:s17+$0x0 ss:$0x1], $0xffff;
	v2 =	vand.u32 $0xF, v2  }
0x3e: {  	p1 =	slt.u32 s16, $0xF0;
	v3 =	vsel vm1, $0xFFFFFFFF, v3;
	v2 =	vsel vm1, $0xFFFFFFFF, v2  }
.Ltmp3:
0x3f: {  	v4 =	vshll.u32 v2, $0xE;
	v5 =	vshll.u32 v3, $0x3;
	(pc) =	sbr.rel @p1 .LBB2_3-.Ltmp3, $4  }
0x40: {  	s14 =	sadd.s32 $0x10, s14;
	v2 =	vshll.u32 v2, $0x7;
	v4 =	vand.u32 $0xFFFE0000, v4;
	v5 =	vand.u32 $0xFFFFFC00, v5;
	(ifvalue) =	ssetifvalue $0x7FFFFFFF  }
0x41: {  	v2 =	vand.u32 $0x380, v2;
	v4 =	vadd.s32 v5, v4;
	[tilespmem:s14], [sflag:$0x1] =	stream.indirect_vreg.gather [hbm4b:s3+s10], $0x1, v1, vm0, $0x4038;
	[tilespmem:$0x400] =	vst v63  }
0x42: {  	v1 =	vand.u32 $0x7F, v3;
	v3 =	vor.u32 v2, v4  }
0x43: {  	s17 =	sadd.s32 $0x10, s17;
	v2 =	vshrl.u32 v0, $0xE;
	v1 =	vor.u32 v1, v3  }
.Ltmp4:
0x44: {  	_ = 	snop;
	(pc) =	sbr.rel .LBB2_4-.Ltmp4, $1  }
0x45: {  	_ =	sdelay $0x3  }
.LBB2_6:
0x46: {  	_ =	sfence.sel $0x180000  }
0x47: {  	s2 =	simm.s32 $0x2;
	[bflag:$0x0] =	sbarrier.arrive $0xFFFF  }
0x48: {  	s30 =	simm.s32 $0x3;
	[sflag:s2] =	ssyncpa.u1 $0x1  }
0x49: {  	s31 =	simm.s32 $0x1;
	[sflag:s30] =	ssyncpa.u1 $0x1  }
0x4a: {  	[sflag:s31] =	ssyncpa.u1 $0x1  }
0x4b: {  	p0 =	sne.s32 s1, $0x0;
	_ =	strace $0x90000047  }
0x4c: {  	s0 =	sadd.s32 @!p0 $0x100000, s0;
	[bflag:$0x2] =	sbarrier.arrive $0xFFFF  }
0x4d: {  	[sflag:s0] =	ssyncadd.tile.s32 @!p0 $0x1;
	_ =	shalt  }
.Lfunc_end2:
_tile_overlayer_lowered:
.L_overlay_start_2:
0x4e: {  	(tag) =	ssettag $0x2  }
0x4f: {  	s0 =	rddreg [dreg:$0x0];
	s2 =	stileid.u32  }
0x50: {  	s1 =	rddreg [dreg:$0x1];
	p0 =	sne.s32 s2, $0x0  }
0x51: {  	s3 =	rddreg [dreg:$0x2];
	[bflag:$0x3] =	sbarrier.arrive $0xFFFF;
	s2 =	simm.s32 @!p0 $0x1C01  }
0x52: {  	[timem:s3], [sflag:s2] =	dma.local @!p0 [hbm:s0], s1  }
0x53: {  	s0 =	simm.s32 @!p0 $0x1  }
0x54: {  	_ =	swait.ge @!p0 [sflag:s0], s1  }
0x55: {  	s1 =	ssub.s32 @!p0 $0x0, s1;
	[sflag:s0] =	ssyncset.done @!p0 $0x0  }
0x56: {  	[sflag:s0] =	ssyncadd.s32 @!p0 s1  }
0x57: {  	[bflag:$0x3] =	sbarrier.arrive $0xFFFF  }
0x58: {  	_ =	shalt  }

</sc_bundles>
